<compile_context>
chip_gen: v7x
topology: tpu7x:2x2x1
jax: 0.10.2.dev20260603
libtpu: 0.0.44.dev20260713+nightly
codegen_flags: <defaults>
</compile_context>

<pallas_src>
import functools

import jax
import jax.numpy as jnp
from jax import lax
from jax.experimental import pallas as pl
from jax.experimental.pallas import tpu as pltpu
from jax.experimental.pallas import tpu_sc as plsc

_B1, _B2, _V = 32, 8, 128256
_R = _B1 * _B2
_NW = 32
_K = 4
_R_SC = _NW * _K
_R_TC = _R - _R_SC
_ROWS_PER_W = _K
_L = 16
_U = 8
_NITER = 167
_CH = _U * _L * _NITER
_NC = _V // _CH
_NCHUNK = _ROWS_PER_W * _NC
_INT_MAX = 2**31 - 1

_mesh = plsc.VectorSubcoreMesh(
    core_axis_name="c", subcore_axis_name="s", num_cores=2, num_subcores=16)


def _merge(bv, bi, v, i):
    better = (v > bv) | ((v == bv) & (i < bi))
    return jnp.where(better, v, bv), jnp.where(better, i, bi)


def _scan_chunk(buf, chunk_base, iota):

    def body(i, carry):
        accs = list(carry)
        isplat = jnp.full((_L,), 0, jnp.int32) + i
        base = i * (_U * _L)
        for j in range(_U):
            vmax_j, vidx_j = accs[2 * j], accs[2 * j + 1]
            v = buf[pl.ds(base + j * _L, _L)]
            m = v > vmax_j
            accs[2 * j] = jnp.where(m, v, vmax_j)
            accs[2 * j + 1] = jnp.where(m, isplat, vidx_j)
        return tuple(accs)

    init = []
    for _ in range(_U):
        init.append(jnp.full((_L,), -jnp.inf, jnp.float32))
        init.append(jnp.zeros((_L,), jnp.int32))
    accs = lax.fori_loop(0, _NITER, body, tuple(init))

    bv = jnp.full((_L,), -jnp.inf, jnp.float32)
    bi = jnp.full((_L,), _INT_MAX, jnp.int32)
    for j in range(_U):
        vmax_j, vit_j = accs[2 * j], accs[2 * j + 1]
        gidx = vit_j * (_U * _L) + (chunk_base + j * _L) + iota
        bv, bi = _merge(bv, bi, vmax_j, gidx)
    return bv, bi


def _argmax_rows_body(x_hbm, out_hbm, buf0, buf1, buf2, res_v,
                      sem0, sem1, sem2):
    wid = lax.axis_index("s") * 2 + lax.axis_index("c")
    iota = lax.iota(jnp.int32, _L)
    row0 = wid * _ROWS_PER_W

    def chunk_src(r, c):
        return x_hbm.at[row0 + r, pl.ds(pl.multiple_of(c * _CH, 8), _CH)]

    pltpu.async_copy(chunk_src(0, 0), buf0, sem0)
    pltpu.async_copy(chunk_src(0, 1), buf1, sem1)

    def row_body(rl, res):
        def triple(tt, carry):
            rv, ri = carry
            k = rl * _NC + 3 * tt
            c0 = 3 * tt * _CH
            legs = ((buf0, sem0, 0), (buf1, sem1, 1), (buf2, sem2, 2))
            for buf, sem, j in legs:
                cl = 3 * tt + j + 2
                nxt_r = jnp.where(cl < _NC, rl, rl + 1)
                nxt_c = jnp.where(cl < _NC, cl, cl - _NC)

                @pl.when(k + 2 + j < _NCHUNK)
                def _():
                    pltpu.async_copy(chunk_src(nxt_r, nxt_c),
                                     legs[(j + 2) % 3][0], legs[(j + 2) % 3][1])
                pltpu.make_async_copy(chunk_src(rl, 3 * tt + j), buf, sem).wait()
                cv, ci = _scan_chunk(buf, c0 + j * _CH, iota)
                rv, ri = _merge(rv, ri, cv, ci)
            return rv, ri

        init = (
            jnp.full((_L,), -jnp.inf, jnp.float32),
            jnp.full((_L,), _INT_MAX, jnp.int32),
        )
        rv, ri = lax.fori_loop(0, _NC // 3, triple, init)
        for off in (8, 4, 2, 1):
            perm = iota ^ off
            v2 = rv.at[perm].get(mode="promise_in_bounds")
            i2 = ri.at[perm].get(mode="promise_in_bounds")
            rv, ri = _merge(rv, ri, v2, i2)
        return jnp.where(iota == rl, ri, res)

    res = lax.fori_loop(0, _ROWS_PER_W, row_body, jnp.zeros((_L,), jnp.int32))
    res_v[...] = res
    base_out = pl.multiple_of(wid * 8, 8)
    pltpu.sync_copy(res_v.at[pl.ds(0, 8)], out_hbm.at[pl.ds(base_out, 8)])


_argmax_rows = functools.partial(
    pl.kernel,
    mesh=_mesh,
    out_type=jax.ShapeDtypeStruct((_NW * 8,), jnp.int32),
    scratch_types=[
        pltpu.VMEM((_CH,), jnp.float32),
        pltpu.VMEM((_CH,), jnp.float32),
        pltpu.VMEM((_CH,), jnp.float32),
        pltpu.VMEM((_L,), jnp.int32),
        pltpu.SemaphoreType.DMA,
        pltpu.SemaphoreType.DMA,
        pltpu.SemaphoreType.DMA,
    ],
)(_argmax_rows_body)


def _tc_body(x_ref, o_ref):
    x = x_ref[...]
    m = jnp.max(x, axis=1, keepdims=True)
    idx = lax.broadcasted_iota(jnp.int32, x.shape, 1)
    cand = jnp.where(x == m, idx, _INT_MAX)
    o_ref[...] = jnp.min(cand, axis=1, keepdims=True)


_tc_rows = 16


def _argmax_rows_tc(x):
    row_blk0 = _R_SC // _tc_rows
    return pl.pallas_call(
        _tc_body,
        grid=(_R_TC // _tc_rows,),
        in_specs=[pl.BlockSpec((_tc_rows, _V), lambda i: (i + row_blk0, 0))],
        out_specs=pl.BlockSpec((_tc_rows, 1), lambda i: (i, 0)),
        out_shape=jax.ShapeDtypeStruct((_R_TC, 1), jnp.int32),
    )(x)


def kernel(logits):
    flat = logits.reshape(_R, _V)
    sc_raw = _argmax_rows(flat)
    tc_out = _argmax_rows_tc(flat)
    sc_out = sc_raw.reshape(_NW, 8)[:, :_K].reshape(_R_SC)
    out = jnp.concatenate([sc_out, tc_out.reshape(_R_TC)])
    return out.reshape(_B1, _B2)

# --- scband reference (transcript-rebuilt; emitter-appended) ---
"""Pipeline reference for scband-argmax-module-33397665694023 (READ-ONLY COPY).

The authoritative reference and input builder live on the scoring server;
editing this copy changes nothing except your own understanding.
"""

import jax, jax.numpy as jnp
import numpy as np


def setup_inputs(seed: int = 0) -> dict:
    key = jax.random.key(seed)
    logits = jax.random.normal(key, (32, 8, 128256), dtype=jnp.float32)
    return {"logits": logits}


def reference(logits):
    # Faithful translation of torch.argmax(logits, dim=-1, keepdim=False)
    return jnp.argmax(logits, axis=-1, keepdims=False)

if __name__ == "__main__":
    import jax
    _d = setup_inputs()
    print(jax.jit(kernel)(*tuple(_d.values())))

</pallas_src>

<mosaic_0001>
#map = affine_map<(d0, d1) -> (0, 0)>
#map1 = affine_map<(d0, d1) -> (0)>
module attributes {stable_mosaic.version = 14 : i64} {
  func.func @_argmax_rows_body(%arg0: i32, %arg1: i32, %arg2: memref<256x128256xf32, #tpu.memory_space<hbm>>, %arg3: memref<256xi32, #tpu.memory_space<hbm>>, %arg4: memref<21376xf32, #tpu.memory_space<vmem>>, %arg5: memref<21376xf32, #tpu.memory_space<vmem>>, %arg6: memref<21376xf32, #tpu.memory_space<vmem>>, %arg7: memref<16xi32, #tpu.memory_space<vmem>>, %arg8: memref<!tpu.dma_semaphore, #tpu.memory_space<semaphore_mem>>, %arg9: memref<!tpu.dma_semaphore, #tpu.memory_space<semaphore_mem>>, %arg10: memref<!tpu.dma_semaphore, #tpu.memory_space<semaphore_mem>>) attributes {dimension_semantics = [#tpu.dimension_semantics<core_parallel>, #tpu.dimension_semantics<subcore_parallel>], iteration_bounds = array<i64: 2, 16>, scalar_prefetch = 0 : i64, scratch_operands = 7 : i64, tpu.core_type = #tpu.core_type<sc_vector_subcore>, window_params = [{transform_indices = #map}, {transform_indices = #map1}]} {
    %mul3A = arith.constant 2 : i32
    %mul3A_0 = arith.muli %arg1, %mul3A : i32
    %add3A = arith.addi %mul3A_0, %arg0 : i32
    %iota3A = tpu.iota {dimensions = array<i32: 0>} : vector<16xi32>
    %mul3A_1 = arith.constant 4 : i32
    %mul3A_2 = arith.muli %add3A, %mul3A_1 : i32
    %add3A_3 = arith.constant 0 : i32
    %add3A_4 = arith.addi %mul3A_2, %add3A_3 : i32
    %multiple_of3A = arith.constant 0 : i32
    %multiple_of3A_5 = tpu.assume_multiple %multiple_of3A, 8 : i32
    %dma_start3A = tpu.memref_slice %arg2[%add3A_4, %multiple_of3A_5] : memref<256x128256xf32, #tpu.memory_space<hbm>> -> memref<1x21376xf32, #tpu.memory_space<hbm>>
    %dma_start3A_6 = tpu.memref_squeeze %dma_start3A : memref<1x21376xf32, #tpu.memory_space<hbm>> -> memref<21376xf32, #tpu.memory_space<hbm>>
    %dma_start3A_7 = tpu.memref_slice %arg2[%add3A_4, %multiple_of3A_5] : memref<256x128256xf32, #tpu.memory_space<hbm>> -> memref<1x21376xf32, #tpu.memory_space<hbm>>
    %dma_start3A_8 = tpu.memref_squeeze %dma_start3A_7 : memref<1x21376xf32, #tpu.memory_space<hbm>> -> memref<21376xf32, #tpu.memory_space<hbm>>
    tpu.enqueue_dma source(%dma_start3A_8 : memref<21376xf32, #tpu.memory_space<hbm>>) target(%arg4 : memref<21376xf32, #tpu.memory_space<vmem>>) target_semaphore(%arg8 : memref<!tpu.dma_semaphore, #tpu.memory_space<semaphore_mem>>)
    %add3A_9 = arith.constant 0 : i32
    %add3A_10 = arith.addi %mul3A_2, %add3A_9 : i32
    %multiple_of3A_11 = arith.constant 21376 : i32
    %multiple_of3A_12 = tpu.assume_multiple %multiple_of3A_11, 8 : i32
    %dma_start3A_13 = tpu.memref_slice %arg2[%add3A_10, %multiple_of3A_12] : memref<256x128256xf32, #tpu.memory_space<hbm>> -> memref<1x21376xf32, #tpu.memory_space<hbm>>
    %dma_start3A_14 = tpu.memref_squeeze %dma_start3A_13 : memref<1x21376xf32, #tpu.memory_space<hbm>> -> memref<21376xf32, #tpu.memory_space<hbm>>
    %dma_start3A_15 = tpu.memref_slice %arg2[%add3A_10, %multiple_of3A_12] : memref<256x128256xf32, #tpu.memory_space<hbm>> -> memref<1x21376xf32, #tpu.memory_space<hbm>>
    %dma_start3A_16 = tpu.memref_squeeze %dma_start3A_15 : memref<1x21376xf32, #tpu.memory_space<hbm>> -> memref<21376xf32, #tpu.memory_space<hbm>>
    tpu.enqueue_dma source(%dma_start3A_16 : memref<21376xf32, #tpu.memory_space<hbm>>) target(%arg5 : memref<21376xf32, #tpu.memory_space<vmem>>) target_semaphore(%arg9 : memref<!tpu.dma_semaphore, #tpu.memory_space<semaphore_mem>>)
    %broadcast_in_dim3A = arith.constant 0 : i32
    %broadcast_in_dim3A_17 = vector.broadcast %broadcast_in_dim3A : i32 to vector<16xi32>
    %scan3A = arith.constant 0 : i32
    %scan3A_18 = arith.constant 4 : i32
    %scan3A_19 = arith.addi %scan3A, %scan3A_18 : i32
    %scan3A_20 = arith.constant 1 : i32
    %scan3A_21 = scf.for %scan3A_29 = %scan3A to %scan3A_19 step %scan3A_20 iter_args(%scan3A_30 = %broadcast_in_dim3A_17) -> (vector<16xi32>)  : i32 {
      %broadcast_in_dim3A_31 = arith.constant 0xFF800000 : f32
      %broadcast_in_dim3A_32 = vector.broadcast %broadcast_in_dim3A_31 : f32 to vector<16xf32>
      %broadcast_in_dim3A_33 = arith.constant 2147483647 : i32
      %broadcast_in_dim3A_34 = vector.broadcast %broadcast_in_dim3A_33 : i32 to vector<16xi32>
      %scan3A_35 = arith.constant 0 : i32
      %scan3A_36 = arith.constant 2 : i32
      %scan3A_37 = arith.addi %scan3A_35, %scan3A_36 : i32
      %scan3A_38 = arith.constant 1 : i32
      %scan3A_39:2 = scf.for %scan3A_156 = %scan3A_35 to %scan3A_37 step %scan3A_38 iter_args(%scan3A_157 = %broadcast_in_dim3A_32, %scan3A_158 = %broadcast_in_dim3A_34) -> (vector<16xf32>, vector<16xi32>)  : i32 {
        %mul3A_159 = arith.constant 6 : i32
        %mul3A_160 = arith.muli %scan3A_29, %mul3A_159 : i32
        %mul3A_161 = arith.constant 3 : i32
        %mul3A_162 = arith.muli %mul3A_161, %scan3A_156 : i32
        %add3A_163 = arith.addi %mul3A_160, %mul3A_162 : i32
        %mul3A_164 = arith.constant 3 : i32
        %mul3A_165 = arith.muli %mul3A_164, %scan3A_156 : i32
        %mul3A_166 = arith.constant 21376 : i32
        %mul3A_167 = arith.muli %mul3A_165, %mul3A_166 : i32
        %mul3A_168 = arith.constant 3 : i32
        %mul3A_169 = arith.muli %mul3A_168, %scan3A_156 : i32
        %add3A_170 = arith.constant 0 : i32
        %add3A_171 = arith.addi %mul3A_169, %add3A_170 : i32
        %add3A_172 = arith.constant 2 : i32
        %add3A_173 = arith.addi %add3A_171, %add3A_172 : i32
        %lt3A_174 = arith.constant 6 : i32
        %lt3A_175 = arith.cmpi slt, %add3A_173, %lt3A_174 : i32
        %add3A_176 = arith.constant 1 : i32
        %add3A_177 = arith.addi %scan3A_29, %add3A_176 : i32
        %select_n3A_178 = arith.select %lt3A_175, %scan3A_29, %add3A_177 : i32
        %lt3A_179 = arith.constant 6 : i32
        %lt3A_180 = arith.cmpi slt, %add3A_173, %lt3A_179 : i32
        %sub3A = arith.constant 6 : i32
        %sub3A_181 = arith.subi %add3A_173, %sub3A : i32
        %select_n3A_182 = arith.select %lt3A_180, %add3A_173, %sub3A_181 : i32
        %add3A_183 = arith.constant 2 : i32
        %add3A_184 = arith.addi %add3A_163, %add3A_183 : i32
        %add3A_185 = arith.constant 0 : i32
        %add3A_186 = arith.addi %add3A_184, %add3A_185 : i32
        %lt3A_187 = arith.constant 24 : i32
        %lt3A_188 = arith.cmpi slt, %add3A_186, %lt3A_187 : i32
        %convert_element_type3A = arith.extui %lt3A_188 : i1 to i32
        %cond3A = arith.constant 0 : i32
        %cond3A_189 = arith.cmpi ne, %convert_element_type3A, %cond3A : i32
        scf.if %cond3A_189 {
          %add3A_788 = arith.addi %mul3A_2, %select_n3A_178 : i32
          %mul3A_789 = arith.constant 21376 : i32
          %mul3A_790 = arith.muli %select_n3A_182, %mul3A_789 : i32
          %multiple_of3A_791 = tpu.assume_multiple %mul3A_790, 8 : i32
          %dma_start3A_792 = tpu.memref_slice %arg2[%add3A_788, %multiple_of3A_791] : memref<256x128256xf32, #tpu.memory_space<hbm>> -> memref<1x21376xf32, #tpu.memory_space<hbm>>
          %dma_start3A_793 = tpu.memref_squeeze %dma_start3A_792 : memref<1x21376xf32, #tpu.memory_space<hbm>> -> memref<21376xf32, #tpu.memory_space<hbm>>
          %dma_start3A_794 = tpu.memref_slice %arg2[%add3A_788, %multiple_of3A_791] : memref<256x128256xf32, #tpu.memory_space<hbm>> -> memref<1x21376xf32, #tpu.memory_space<hbm>>
          %dma_start3A_795 = tpu.memref_squeeze %dma_start3A_794 : memref<1x21376xf32, #tpu.memory_space<hbm>> -> memref<21376xf32, #tpu.memory_space<hbm>>
          tpu.enqueue_dma source(%dma_start3A_795 : memref<21376xf32, #tpu.memory_space<hbm>>) target(%arg6 : memref<21376xf32, #tpu.memory_space<vmem>>) target_semaphore(%arg10 : memref<!tpu.dma_semaphore, #tpu.memory_space<semaphore_mem>>)
        } else {
        }
        %mul3A_190 = arith.constant 3 : i32
        %mul3A_191 = arith.muli %mul3A_190, %scan3A_156 : i32
        %add3A_192 = arith.constant 0 : i32
        %add3A_193 = arith.addi %mul3A_191, %add3A_192 : i32
        %add3A_194 = arith.addi %mul3A_2, %scan3A_29 : i32
        %mul3A_195 = arith.constant 21376 : i32
        %mul3A_196 = arith.muli %add3A_193, %mul3A_195 : i32
        %multiple_of3A_197 = tpu.assume_multiple %mul3A_196, 8 : i32
        %dma_wait3A = tpu.memref_slice %arg2[%add3A_194, %multiple_of3A_197] : memref<256x128256xf32, #tpu.memory_space<hbm>> -> memref<1x21376xf32, #tpu.memory_space<hbm>>
        %dma_wait3A_198 = tpu.memref_squeeze %dma_wait3A : memref<1x21376xf32, #tpu.memory_space<hbm>> -> memref<21376xf32, #tpu.memory_space<hbm>>
        %dma_wait3A_199 = tpu.memref_slice %arg2[%add3A_194, %multiple_of3A_197] : memref<256x128256xf32, #tpu.memory_space<hbm>> -> memref<1x21376xf32, #tpu.memory_space<hbm>>
        %dma_wait3A_200 = tpu.memref_squeeze %dma_wait3A_199 : memref<1x21376xf32, #tpu.memory_space<hbm>> -> memref<21376xf32, #tpu.memory_space<hbm>>
        tpu.wait_dma2 semaphore(%arg8 : memref<!tpu.dma_semaphore, #tpu.memory_space<semaphore_mem>>) src(%dma_wait3A_200 : memref<21376xf32, #tpu.memory_space<hbm>>) dst(%arg4 : memref<21376xf32, #tpu.memory_space<vmem>>)
        %add3A_201 = arith.constant 0 : i32
        %add3A_202 = arith.addi %mul3A_167, %add3A_201 : i32
        %broadcast_in_dim3A_203 = arith.constant 0xFF800000 : f32
        %broadcast_in_dim3A_204 = vector.broadcast %broadcast_in_dim3A_203 : f32 to vector<16xf32>
        %broadcast_in_dim3A_205 = arith.constant 0 : i32
        %broadcast_in_dim3A_206 = vector.broadcast %broadcast_in_dim3A_205 : i32 to vector<16xi32>
        %broadcast_in_dim3A_207 = arith.constant 0xFF800000 : f32
        %broadcast_in_dim3A_208 = vector.broadcast %broadcast_in_dim3A_207 : f32 to vector<16xf32>
        %broadcast_in_dim3A_209 = arith.constant 0 : i32
        %broadcast_in_dim3A_210 = vector.broadcast %broadcast_in_dim3A_209 : i32 to vector<16xi32>
        %broadcast_in_dim3A_211 = arith.constant 0xFF800000 : f32
        %broadcast_in_dim3A_212 = vector.broadcast %broadcast_in_dim3A_211 : f32 to vector<16xf32>
        %broadcast_in_dim3A_213 = arith.constant 0 : i32
        %broadcast_in_dim3A_214 = vector.broadcast %broadcast_in_dim3A_213 : i32 to vector<16xi32>
        %broadcast_in_dim3A_215 = arith.constant 0xFF800000 : f32
        %broadcast_in_dim3A_216 = vector.broadcast %broadcast_in_dim3A_215 : f32 to vector<16xf32>
        %broadcast_in_dim3A_217 = arith.constant 0 : i32
        %broadcast_in_dim3A_218 = vector.broadcast %broadcast_in_dim3A_217 : i32 to vector<16xi32>
        %broadcast_in_dim3A_219 = arith.constant 0xFF800000 : f32
        %broadcast_in_dim3A_220 = vector.broadcast %broadcast_in_dim3A_219 : f32 to vector<16xf32>
        %broadcast_in_dim3A_221 = arith.constant 0 : i32
        %broadcast_in_dim3A_222 = vector.broadcast %broadcast_in_dim3A_221 : i32 to vector<16xi32>
        %broadcast_in_dim3A_223 = arith.constant 0xFF800000 : f32
        %broadcast_in_dim3A_224 = vector.broadcast %broadcast_in_dim3A_223 : f32 to vector<16xf32>
        %broadcast_in_dim3A_225 = arith.constant 0 : i32
        %broadcast_in_dim3A_226 = vector.broadcast %broadcast_in_dim3A_225 : i32 to vector<16xi32>
        %broadcast_in_dim3A_227 = arith.constant 0xFF800000 : f32
        %broadcast_in_dim3A_228 = vector.broadcast %broadcast_in_dim3A_227 : f32 to vector<16xf32>
        %broadcast_in_dim3A_229 = arith.constant 0 : i32
        %broadcast_in_dim3A_230 = vector.broadcast %broadcast_in_dim3A_229 : i32 to vector<16xi32>
        %broadcast_in_dim3A_231 = arith.constant 0xFF800000 : f32
        %broadcast_in_dim3A_232 = vector.broadcast %broadcast_in_dim3A_231 : f32 to vector<16xf32>
        %broadcast_in_dim3A_233 = arith.constant 0 : i32
        %broadcast_in_dim3A_234 = vector.broadcast %broadcast_in_dim3A_233 : i32 to vector<16xi32>
        %scan3A_235 = arith.constant 0 : i32
        %scan3A_236 = arith.constant 167 : i32
        %scan3A_237 = arith.addi %scan3A_235, %scan3A_236 : i32
        %scan3A_238 = arith.constant 1 : i32
        %scan3A_239:16 = scf.for %scan3A_788 = %scan3A_235 to %scan3A_237 step %scan3A_238 iter_args(%scan3A_789 = %broadcast_in_dim3A_204, %scan3A_790 = %broadcast_in_dim3A_206, %scan3A_791 = %broadcast_in_dim3A_208, %scan3A_792 = %broadcast_in_dim3A_210, %scan3A_793 = %broadcast_in_dim3A_212, %scan3A_794 = %broadcast_in_dim3A_214, %scan3A_795 = %broadcast_in_dim3A_216, %scan3A_796 = %broadcast_in_dim3A_218, %scan3A_797 = %broadcast_in_dim3A_220, %scan3A_798 = %broadcast_in_dim3A_222, %scan3A_799 = %broadcast_in_dim3A_224, %scan3A_800 = %broadcast_in_dim3A_226, %scan3A_801 = %broadcast_in_dim3A_228, %scan3A_802 = %broadcast_in_dim3A_230, %scan3A_803 = %broadcast_in_dim3A_232, %scan3A_804 = %broadcast_in_dim3A_234) -> (vector<16xf32>, vector<16xi32>, vector<16xf32>, vector<16xi32>, vector<16xf32>, vector<16xi32>, vector<16xf32>, vector<16xi32>, vector<16xf32>, vector<16xi32>, vector<16xf32>, vector<16xi32>, vector<16xf32>, vector<16xi32>, vector<16xf32>, vector<16xi32>)  : i32 {
          %broadcast_in_dim3A_805 = arith.constant 0 : i32
          %broadcast_in_dim3A_806 = vector.broadcast %broadcast_in_dim3A_805 : i32 to vector<16xi32>
          %add3A_807 = vector.broadcast %scan3A_788 : i32 to vector<16xi32>
          %add3A_808 = arith.addi %broadcast_in_dim3A_806, %add3A_807 : vector<16xi32>
          %mul3A_809 = arith.constant 128 : i32
          %mul3A_810 = arith.muli %scan3A_788, %mul3A_809 : i32
          %add3A_811 = arith.constant 0 : i32
          %add3A_812 = arith.addi %mul3A_810, %add3A_811 : i32
          %get3A = arith.index_cast %add3A_812 : i32 to index
          %get3A_813 = tpu.vector_load %arg4[%get3A] {strides = array<i32>} : memref<21376xf32, #tpu.memory_space<vmem>>, vector<16xf32>,
          %get3A_814 = vector.shape_cast %get3A_813 : vector<16xf32> to vector<16xf32>
          %gt3A_815 = arith.cmpf ogt, %get3A_814, %scan3A_789 : vector<16xf32>
          %select_n3A_816 = arith.select %gt3A_815, %get3A_814, %scan3A_789 : vector<16xi1>, vector<16xf32>
          %select_n3A_817 = arith.select %gt3A_815, %add3A_808, %scan3A_790 : vector<16xi1>, vector<16xi32>
          %add3A_818 = arith.constant 16 : i32
          %add3A_819 = arith.addi %mul3A_810, %add3A_818 : i32
          %get3A_820 = arith.index_cast %add3A_819 : i32 to index
          %get3A_821 = tpu.vector_load %arg4[%get3A_820] {strides = array<i32>} : memref<21376xf32, #tpu.memory_space<vmem>>, vector<16xf32>,
          %get3A_822 = vector.shape_cast %get3A_821 : vector<16xf32> to vector<16xf32>
          %gt3A_823 = arith.cmpf ogt, %get3A_822, %scan3A_791 : vector<16xf32>
          %select_n3A_824 = arith.select %gt3A_823, %get3A_822, %scan3A_791 : vector<16xi1>, vector<16xf32>
          %select_n3A_825 = arith.select %gt3A_823, %add3A_808, %scan3A_792 : vector<16xi1>, vector<16xi32>
          %add3A_826 = arith.constant 32 : i32
          %add3A_827 = arith.addi %mul3A_810, %add3A_826 : i32
          %get3A_828 = arith.index_cast %add3A_827 : i32 to index
          %get3A_829 = tpu.vector_load %arg4[%get3A_828] {strides = array<i32>} : memref<21376xf32, #tpu.memory_space<vmem>>, vector<16xf32>,
          %get3A_830 = vector.shape_cast %get3A_829 : vector<16xf32> to vector<16xf32>
          %gt3A_831 = arith.cmpf ogt, %get3A_830, %scan3A_793 : vector<16xf32>
          %select_n3A_832 = arith.select %gt3A_831, %get3A_830, %scan3A_793 : vector<16xi1>, vector<16xf32>
          %select_n3A_833 = arith.select %gt3A_831, %add3A_808, %scan3A_794 : vector<16xi1>, vector<16xi32>
          %add3A_834 = arith.constant 48 : i32
          %add3A_835 = arith.addi %mul3A_810, %add3A_834 : i32
          %get3A_836 = arith.index_cast %add3A_835 : i32 to index
          %get3A_837 = tpu.vector_load %arg4[%get3A_836] {strides = array<i32>} : memref<21376xf32, #tpu.memory_space<vmem>>, vector<16xf32>,
          %get3A_838 = vector.shape_cast %get3A_837 : vector<16xf32> to vector<16xf32>
          %gt3A_839 = arith.cmpf ogt, %get3A_838, %scan3A_795 : vector<16xf32>
          %select_n3A_840 = arith.select %gt3A_839, %get3A_838, %scan3A_795 : vector<16xi1>, vector<16xf32>
          %select_n3A_841 = arith.select %gt3A_839, %add3A_808, %scan3A_796 : vector<16xi1>, vector<16xi32>
          %add3A_842 = arith.constant 64 : i32
          %add3A_843 = arith.addi %mul3A_810, %add3A_842 : i32
          %get3A_844 = arith.index_cast %add3A_843 : i32 to index
          %get3A_845 = tpu.vector_load %arg4[%get3A_844] {strides = array<i32>} : memref<21376xf32, #tpu.memory_space<vmem>>, vector<16xf32>,
          %get3A_846 = vector.shape_cast %get3A_845 : vector<16xf32> to vector<16xf32>
          %gt3A_847 = arith.cmpf ogt, %get3A_846, %scan3A_797 : vector<16xf32>
          %select_n3A_848 = arith.select %gt3A_847, %get3A_846, %scan3A_797 : vector<16xi1>, vector<16xf32>
          %select_n3A_849 = arith.select %gt3A_847, %add3A_808, %scan3A_798 : vector<16xi1>, vector<16xi32>
          %add3A_850 = arith.constant 80 : i32
          %add3A_851 = arith.addi %mul3A_810, %add3A_850 : i32
          %get3A_852 = arith.index_cast %add3A_851 : i32 to index
          %get3A_853 = tpu.vector_load %arg4[%get3A_852] {strides = array<i32>} : memref<21376xf32, #tpu.memory_space<vmem>>, vector<16xf32>,
          %get3A_854 = vector.shape_cast %get3A_853 : vector<16xf32> to vector<16xf32>
          %gt3A_855 = arith.cmpf ogt, %get3A_854, %scan3A_799 : vector<16xf32>
          %select_n3A_856 = arith.select %gt3A_855, %get3A_854, %scan3A_799 : vector<16xi1>, vector<16xf32>
          %select_n3A_857 = arith.select %gt3A_855, %add3A_808, %scan3A_800 : vector<16xi1>, vector<16xi32>
          %add3A_858 = arith.constant 96 : i32
          %add3A_859 = arith.addi %mul3A_810, %add3A_858 : i32
          %get3A_860 = arith.index_cast %add3A_859 : i32 to index
          %get3A_861 = tpu.vector_load %arg4[%get3A_860] {strides = array<i32>} : memref<21376xf32, #tpu.memory_space<vmem>>, vector<16xf32>,
          %get3A_862 = vector.shape_cast %get3A_861 : vector<16xf32> to vector<16xf32>
          %gt3A_863 = arith.cmpf ogt, %get3A_862, %scan3A_801 : vector<16xf32>
          %select_n3A_864 = arith.select %gt3A_863, %get3A_862, %scan3A_801 : vector<16xi1>, vector<16xf32>
          %select_n3A_865 = arith.select %gt3A_863, %add3A_808, %scan3A_802 : vector<16xi1>, vector<16xi32>
          %add3A_866 = arith.constant 112 : i32
          %add3A_867 = arith.addi %mul3A_810, %add3A_866 : i32
          %get3A_868 = arith.index_cast %add3A_867 : i32 to index
          %get3A_869 = tpu.vector_load %arg4[%get3A_868] {strides = array<i32>} : memref<21376xf32, #tpu.memory_space<vmem>>, vector<16xf32>,
          %get3A_870 = vector.shape_cast %get3A_869 : vector<16xf32> to vector<16xf32>
          %gt3A_871 = arith.cmpf ogt, %get3A_870, %scan3A_803 : vector<16xf32>
          %select_n3A_872 = arith.select %gt3A_871, %get3A_870, %scan3A_803 : vector<16xi1>, vector<16xf32>
          %select_n3A_873 = arith.select %gt3A_871, %add3A_808, %scan3A_804 : vector<16xi1>, vector<16xi32>
          scf.yield %select_n3A_816, %select_n3A_817, %select_n3A_824, %select_n3A_825, %select_n3A_832, %select_n3A_833, %select_n3A_840, %select_n3A_841, %select_n3A_848, %select_n3A_849, %select_n3A_856, %select_n3A_857, %select_n3A_864, %select_n3A_865, %select_n3A_872, %select_n3A_873 : vector<16xf32>, vector<16xi32>, vector<16xf32>, vector<16xi32>, vector<16xf32>, vector<16xi32>, vector<16xf32>, vector<16xi32>, vector<16xf32>, vector<16xi32>, vector<16xf32>, vector<16xi32>, vector<16xf32>, vector<16xi32>, vector<16xf32>, vector<16xi32>
        }
        %scan3A_240 = arith.constant 167 : i32
        %broadcast_in_dim3A_241 = arith.constant 0xFF800000 : f32
        %broadcast_in_dim3A_242 = vector.broadcast %broadcast_in_dim3A_241 : f32 to vector<16xf32>
        %broadcast_in_dim3A_243 = arith.constant 2147483647 : i32
        %broadcast_in_dim3A_244 = vector.broadcast %broadcast_in_dim3A_243 : i32 to vector<16xi32>
        %mul3A_245 = arith.constant 128 : i32
        %mul3A_246 = vector.broadcast %mul3A_245 : i32 to vector<16xi32>
        %mul3A_247 = arith.muli %scan3A_239#1, %mul3A_246 : vector<16xi32>
        %add3A_248 = arith.constant 0 : i32
        %add3A_249 = arith.addi %add3A_202, %add3A_248 : i32
        %add3A_250 = vector.broadcast %add3A_249 : i32 to vector<16xi32>
        %add3A_251 = arith.addi %mul3A_247, %add3A_250 : vector<16xi32>
        %add3A_252 = arith.addi %add3A_251, %iota3A : vector<16xi32>
        %gt3A_253 = arith.cmpf ogt, %scan3A_239#0, %broadcast_in_dim3A_242 : vector<16xf32>
        %eq3A_254 = arith.cmpf oeq, %scan3A_239#0, %broadcast_in_dim3A_242 : vector<16xf32>
        %lt3A_255 = arith.cmpi slt, %add3A_252, %broadcast_in_dim3A_244 : vector<16xi32>
        %and3A_256 = arith.andi %eq3A_254, %lt3A_255 : vector<16xi1>
        %or3A_257 = arith.ori %gt3A_253, %and3A_256 : vector<16xi1>
        %select_n3A_258 = arith.select %or3A_257, %scan3A_239#0, %broadcast_in_dim3A_242 : vector<16xi1>, vector<16xf32>
        %select_n3A_259 = arith.select %or3A_257, %add3A_252, %broadcast_in_dim3A_244 : vector<16xi1>, vector<16xi32>
        %mul3A_260 = arith.constant 128 : i32
        %mul3A_261 = vector.broadcast %mul3A_260 : i32 to vector<16xi32>
        %mul3A_262 = arith.muli %scan3A_239#3, %mul3A_261 : vector<16xi32>
        %add3A_263 = arith.constant 16 : i32
        %add3A_264 = arith.addi %add3A_202, %add3A_263 : i32
        %add3A_265 = vector.broadcast %add3A_264 : i32 to vector<16xi32>
        %add3A_266 = arith.addi %mul3A_262, %add3A_265 : vector<16xi32>
        %add3A_267 = arith.addi %add3A_266, %iota3A : vector<16xi32>
        %gt3A_268 = arith.cmpf ogt, %scan3A_239#2, %select_n3A_258 : vector<16xf32>
        %eq3A_269 = arith.cmpf oeq, %scan3A_239#2, %select_n3A_258 : vector<16xf32>
        %lt3A_270 = arith.cmpi slt, %add3A_267, %select_n3A_259 : vector<16xi32>
        %and3A_271 = arith.andi %eq3A_269, %lt3A_270 : vector<16xi1>
        %or3A_272 = arith.ori %gt3A_268, %and3A_271 : vector<16xi1>
        %select_n3A_273 = arith.select %or3A_272, %scan3A_239#2, %select_n3A_258 : vector<16xi1>, vector<16xf32>
        %select_n3A_274 = arith.select %or3A_272, %add3A_267, %select_n3A_259 : vector<16xi1>, vector<16xi32>
        %mul3A_275 = arith.constant 128 : i32
        %mul3A_276 = vector.broadcast %mul3A_275 : i32 to vector<16xi32>
        %mul3A_277 = arith.muli %scan3A_239#5, %mul3A_276 : vector<16xi32>
        %add3A_278 = arith.constant 32 : i32
        %add3A_279 = arith.addi %add3A_202, %add3A_278 : i32
        %add3A_280 = vector.broadcast %add3A_279 : i32 to vector<16xi32>
        %add3A_281 = arith.addi %mul3A_277, %add3A_280 : vector<16xi32>
        %add3A_282 = arith.addi %add3A_281, %iota3A : vector<16xi32>
        %gt3A_283 = arith.cmpf ogt, %scan3A_239#4, %select_n3A_273 : vector<16xf32>
        %eq3A_284 = arith.cmpf oeq, %scan3A_239#4, %select_n3A_273 : vector<16xf32>
        %lt3A_285 = arith.cmpi slt, %add3A_282, %select_n3A_274 : vector<16xi32>
        %and3A_286 = arith.andi %eq3A_284, %lt3A_285 : vector<16xi1>
        %or3A_287 = arith.ori %gt3A_283, %and3A_286 : vector<16xi1>
        %select_n3A_288 = arith.select %or3A_287, %scan3A_239#4, %select_n3A_273 : vector<16xi1>, vector<16xf32>
        %select_n3A_289 = arith.select %or3A_287, %add3A_282, %select_n3A_274 : vector<16xi1>, vector<16xi32>
        %mul3A_290 = arith.constant 128 : i32
        %mul3A_291 = vector.broadcast %mul3A_290 : i32 to vector<16xi32>
        %mul3A_292 = arith.muli %scan3A_239#7, %mul3A_291 : vector<16xi32>
        %add3A_293 = arith.constant 48 : i32
        %add3A_294 = arith.addi %add3A_202, %add3A_293 : i32
        %add3A_295 = vector.broadcast %add3A_294 : i32 to vector<16xi32>
        %add3A_296 = arith.addi %mul3A_292, %add3A_295 : vector<16xi32>
        %add3A_297 = arith.addi %add3A_296, %iota3A : vector<16xi32>
        %gt3A_298 = arith.cmpf ogt, %scan3A_239#6, %select_n3A_288 : vector<16xf32>
        %eq3A_299 = arith.cmpf oeq, %scan3A_239#6, %select_n3A_288 : vector<16xf32>
        %lt3A_300 = arith.cmpi slt, %add3A_297, %select_n3A_289 : vector<16xi32>
        %and3A_301 = arith.andi %eq3A_299, %lt3A_300 : vector<16xi1>
        %or3A_302 = arith.ori %gt3A_298, %and3A_301 : vector<16xi1>
        %select_n3A_303 = arith.select %or3A_302, %scan3A_239#6, %select_n3A_288 : vector<16xi1>, vector<16xf32>
        %select_n3A_304 = arith.select %or3A_302, %add3A_297, %select_n3A_289 : vector<16xi1>, vector<16xi32>
        %mul3A_305 = arith.constant 128 : i32
        %mul3A_306 = vector.broadcast %mul3A_305 : i32 to vector<16xi32>
        %mul3A_307 = arith.muli %scan3A_239#9, %mul3A_306 : vector<16xi32>
        %add3A_308 = arith.constant 64 : i32
        %add3A_309 = arith.addi %add3A_202, %add3A_308 : i32
        %add3A_310 = vector.broadcast %add3A_309 : i32 to vector<16xi32>
        %add3A_311 = arith.addi %mul3A_307, %add3A_310 : vector<16xi32>
        %add3A_312 = arith.addi %add3A_311, %iota3A : vector<16xi32>
        %gt3A_313 = arith.cmpf ogt, %scan3A_239#8, %select_n3A_303 : vector<16xf32>
        %eq3A_314 = arith.cmpf oeq, %scan3A_239#8, %select_n3A_303 : vector<16xf32>
        %lt3A_315 = arith.cmpi slt, %add3A_312, %select_n3A_304 : vector<16xi32>
        %and3A_316 = arith.andi %eq3A_314, %lt3A_315 : vector<16xi1>
        %or3A_317 = arith.ori %gt3A_313, %and3A_316 : vector<16xi1>
        %select_n3A_318 = arith.select %or3A_317, %scan3A_239#8, %select_n3A_303 : vector<16xi1>, vector<16xf32>
        %select_n3A_319 = arith.select %or3A_317, %add3A_312, %select_n3A_304 : vector<16xi1>, vector<16xi32>
        %mul3A_320 = arith.constant 128 : i32
        %mul3A_321 = vector.broadcast %mul3A_320 : i32 to vector<16xi32>
        %mul3A_322 = arith.muli %scan3A_239#11, %mul3A_321 : vector<16xi32>
        %add3A_323 = arith.constant 80 : i32
        %add3A_324 = arith.addi %add3A_202, %add3A_323 : i32
        %add3A_325 = vector.broadcast %add3A_324 : i32 to vector<16xi32>
        %add3A_326 = arith.addi %mul3A_322, %add3A_325 : vector<16xi32>
        %add3A_327 = arith.addi %add3A_326, %iota3A : vector<16xi32>
        %gt3A_328 = arith.cmpf ogt, %scan3A_239#10, %select_n3A_318 : vector<16xf32>
        %eq3A_329 = arith.cmpf oeq, %scan3A_239#10, %select_n3A_318 : vector<16xf32>
        %lt3A_330 = arith.cmpi slt, %add3A_327, %select_n3A_319 : vector<16xi32>
        %and3A_331 = arith.andi %eq3A_329, %lt3A_330 : vector<16xi1>
        %or3A_332 = arith.ori %gt3A_328, %and3A_331 : vector<16xi1>
        %select_n3A_333 = arith.select %or3A_332, %scan3A_239#10, %select_n3A_318 : vector<16xi1>, vector<16xf32>
        %select_n3A_334 = arith.select %or3A_332, %add3A_327, %select_n3A_319 : vector<16xi1>, vector<16xi32>
        %mul3A_335 = arith.constant 128 : i32
        %mul3A_336 = vector.broadcast %mul3A_335 : i32 to vector<16xi32>
        %mul3A_337 = arith.muli %scan3A_239#13, %mul3A_336 : vector<16xi32>
        %add3A_338 = arith.constant 96 : i32
        %add3A_339 = arith.addi %add3A_202, %add3A_338 : i32
        %add3A_340 = vector.broadcast %add3A_339 : i32 to vector<16xi32>
        %add3A_341 = arith.addi %mul3A_337, %add3A_340 : vector<16xi32>
        %add3A_342 = arith.addi %add3A_341, %iota3A : vector<16xi32>
        %gt3A_343 = arith.cmpf ogt, %scan3A_239#12, %select_n3A_333 : vector<16xf32>
        %eq3A_344 = arith.cmpf oeq, %scan3A_239#12, %select_n3A_333 : vector<16xf32>
        %lt3A_345 = arith.cmpi slt, %add3A_342, %select_n3A_334 : vector<16xi32>
        %and3A_346 = arith.andi %eq3A_344, %lt3A_345 : vector<16xi1>
        %or3A_347 = arith.ori %gt3A_343, %and3A_346 : vector<16xi1>
        %select_n3A_348 = arith.select %or3A_347, %scan3A_239#12, %select_n3A_333 : vector<16xi1>, vector<16xf32>
        %select_n3A_349 = arith.select %or3A_347, %add3A_342, %select_n3A_334 : vector<16xi1>, vector<16xi32>
        %mul3A_350 = arith.constant 128 : i32
        %mul3A_351 = vector.broadcast %mul3A_350 : i32 to vector<16xi32>
        %mul3A_352 = arith.muli %scan3A_239#15, %mul3A_351 : vector<16xi32>
        %add3A_353 = arith.constant 112 : i32
        %add3A_354 = arith.addi %add3A_202, %add3A_353 : i32
        %add3A_355 = vector.broadcast %add3A_354 : i32 to vector<16xi32>
        %add3A_356 = arith.addi %mul3A_352, %add3A_355 : vector<16xi32>
        %add3A_357 = arith.addi %add3A_356, %iota3A : vector<16xi32>
        %gt3A_358 = arith.cmpf ogt, %scan3A_239#14, %select_n3A_348 : vector<16xf32>
        %eq3A_359 = arith.cmpf oeq, %scan3A_239#14, %select_n3A_348 : vector<16xf32>
        %lt3A_360 = arith.cmpi slt, %add3A_357, %select_n3A_349 : vector<16xi32>
        %and3A_361 = arith.andi %eq3A_359, %lt3A_360 : vector<16xi1>
        %or3A_362 = arith.ori %gt3A_358, %and3A_361 : vector<16xi1>
        %select_n3A_363 = arith.select %or3A_362, %scan3A_239#14, %select_n3A_348 : vector<16xi1>, vector<16xf32>
        %select_n3A_364 = arith.select %or3A_362, %add3A_357, %select_n3A_349 : vector<16xi1>, vector<16xi32>
        %gt3A_365 = arith.cmpf ogt, %select_n3A_363, %scan3A_157 : vector<16xf32>
        %eq3A_366 = arith.cmpf oeq, %select_n3A_363, %scan3A_157 : vector<16xf32>
        %lt3A_367 = arith.cmpi slt, %select_n3A_364, %scan3A_158 : vector<16xi32>
        %and3A_368 = arith.andi %eq3A_366, %lt3A_367 : vector<16xi1>
        %or3A_369 = arith.ori %gt3A_365, %and3A_368 : vector<16xi1>
        %select_n3A_370 = arith.select %or3A_369, %select_n3A_363, %scan3A_157 : vector<16xi1>, vector<16xf32>
        %select_n3A_371 = arith.select %or3A_369, %select_n3A_364, %scan3A_158 : vector<16xi1>, vector<16xi32>
        %mul3A_372 = arith.constant 3 : i32
        %mul3A_373 = arith.muli %mul3A_372, %scan3A_156 : i32
        %add3A_374 = arith.constant 1 : i32
        %add3A_375 = arith.addi %mul3A_373, %add3A_374 : i32
        %add3A_376 = arith.constant 2 : i32
        %add3A_377 = arith.addi %add3A_375, %add3A_376 : i32
        %lt3A_378 = arith.constant 6 : i32
        %lt3A_379 = arith.cmpi slt, %add3A_377, %lt3A_378 : i32
        %add3A_380 = arith.constant 1 : i32
        %add3A_381 = arith.addi %scan3A_29, %add3A_380 : i32
        %select_n3A_382 = arith.select %lt3A_379, %scan3A_29, %add3A_381 : i32
        %lt3A_383 = arith.constant 6 : i32
        %lt3A_384 = arith.cmpi slt, %add3A_377, %lt3A_383 : i32
        %sub3A_385 = arith.constant 6 : i32
        %sub3A_386 = arith.subi %add3A_377, %sub3A_385 : i32
        %select_n3A_387 = arith.select %lt3A_384, %add3A_377, %sub3A_386 : i32
        %add3A_388 = arith.constant 2 : i32
        %add3A_389 = arith.addi %add3A_163, %add3A_388 : i32
        %add3A_390 = arith.constant 1 : i32
        %add3A_391 = arith.addi %add3A_389, %add3A_390 : i32
        %lt3A_392 = arith.constant 24 : i32
        %lt3A_393 = arith.cmpi slt, %add3A_391, %lt3A_392 : i32
        %convert_element_type3A_394 = arith.extui %lt3A_393 : i1 to i32
        %cond3A_395 = arith.constant 0 : i32
        %cond3A_396 = arith.cmpi ne, %convert_element_type3A_394, %cond3A_395 : i32
        scf.if %cond3A_396 {
          %add3A_788 = arith.addi %mul3A_2, %select_n3A_382 : i32
          %mul3A_789 = arith.constant 21376 : i32
          %mul3A_790 = arith.muli %select_n3A_387, %mul3A_789 : i32
          %multiple_of3A_791 = tpu.assume_multiple %mul3A_790, 8 : i32
          %dma_start3A_792 = tpu.memref_slice %arg2[%add3A_788, %multiple_of3A_791] : memref<256x128256xf32, #tpu.memory_space<hbm>> -> memref<1x21376xf32, #tpu.memory_space<hbm>>
          %dma_start3A_793 = tpu.memref_squeeze %dma_start3A_792 : memref<1x21376xf32, #tpu.memory_space<hbm>> -> memref<21376xf32, #tpu.memory_space<hbm>>
          %dma_start3A_794 = tpu.memref_slice %arg2[%add3A_788, %multiple_of3A_791] : memref<256x128256xf32, #tpu.memory_space<hbm>> -> memref<1x21376xf32, #tpu.memory_space<hbm>>
          %dma_start3A_795 = tpu.memref_squeeze %dma_start3A_794 : memref<1x21376xf32, #tpu.memory_space<hbm>> -> memref<21376xf32, #tpu.memory_space<hbm>>
          tpu.enqueue_dma source(%dma_start3A_795 : memref<21376xf32, #tpu.memory_space<hbm>>) target(%arg4 : memref<21376xf32, #tpu.memory_space<vmem>>) target_semaphore(%arg8 : memref<!tpu.dma_semaphore, #tpu.memory_space<semaphore_mem>>)
        } else {
        }
        %mul3A_397 = arith.constant 3 : i32
        %mul3A_398 = arith.muli %mul3A_397, %scan3A_156 : i32
        %add3A_399 = arith.constant 1 : i32
        %add3A_400 = arith.addi %mul3A_398, %add3A_399 : i32
        %add3A_401 = arith.addi %mul3A_2, %scan3A_29 : i32
        %mul3A_402 = arith.constant 21376 : i32
        %mul3A_403 = arith.muli %add3A_400, %mul3A_402 : i32
        %multiple_of3A_404 = tpu.assume_multiple %mul3A_403, 8 : i32
        %dma_wait3A_405 = tpu.memref_slice %arg2[%add3A_401, %multiple_of3A_404] : memref<256x128256xf32, #tpu.memory_space<hbm>> -> memref<1x21376xf32, #tpu.memory_space<hbm>>
        %dma_wait3A_406 = tpu.memref_squeeze %dma_wait3A_405 : memref<1x21376xf32, #tpu.memory_space<hbm>> -> memref<21376xf32, #tpu.memory_space<hbm>>
        %dma_wait3A_407 = tpu.memref_slice %arg2[%add3A_401, %multiple_of3A_404] : memref<256x128256xf32, #tpu.memory_space<hbm>> -> memref<1x21376xf32, #tpu.memory_space<hbm>>
        %dma_wait3A_408 = tpu.memref_squeeze %dma_wait3A_407 : memref<1x21376xf32, #tpu.memory_space<hbm>> -> memref<21376xf32, #tpu.memory_space<hbm>>
        tpu.wait_dma2 semaphore(%arg9 : memref<!tpu.dma_semaphore, #tpu.memory_space<semaphore_mem>>) src(%dma_wait3A_408 : memref<21376xf32, #tpu.memory_space<hbm>>) dst(%arg5 : memref<21376xf32, #tpu.memory_space<vmem>>)
        %add3A_409 = arith.constant 21376 : i32
        %add3A_410 = arith.addi %mul3A_167, %add3A_409 : i32
        %broadcast_in_dim3A_411 = arith.constant 0xFF800000 : f32
        %broadcast_in_dim3A_412 = vector.broadcast %broadcast_in_dim3A_411 : f32 to vector<16xf32>
        %broadcast_in_dim3A_413 = arith.constant 0 : i32
        %broadcast_in_dim3A_414 = vector.broadcast %broadcast_in_dim3A_413 : i32 to vector<16xi32>
        %broadcast_in_dim3A_415 = arith.constant 0xFF800000 : f32
        %broadcast_in_dim3A_416 = vector.broadcast %broadcast_in_dim3A_415 : f32 to vector<16xf32>
        %broadcast_in_dim3A_417 = arith.constant 0 : i32
        %broadcast_in_dim3A_418 = vector.broadcast %broadcast_in_dim3A_417 : i32 to vector<16xi32>
        %broadcast_in_dim3A_419 = arith.constant 0xFF800000 : f32
        %broadcast_in_dim3A_420 = vector.broadcast %broadcast_in_dim3A_419 : f32 to vector<16xf32>
        %broadcast_in_dim3A_421 = arith.constant 0 : i32
        %broadcast_in_dim3A_422 = vector.broadcast %broadcast_in_dim3A_421 : i32 to vector<16xi32>
        %broadcast_in_dim3A_423 = arith.constant 0xFF800000 : f32
        %broadcast_in_dim3A_424 = vector.broadcast %broadcast_in_dim3A_423 : f32 to vector<16xf32>
        %broadcast_in_dim3A_425 = arith.constant 0 : i32
        %broadcast_in_dim3A_426 = vector.broadcast %broadcast_in_dim3A_425 : i32 to vector<16xi32>
        %broadcast_in_dim3A_427 = arith.constant 0xFF800000 : f32
        %broadcast_in_dim3A_428 = vector.broadcast %broadcast_in_dim3A_427 : f32 to vector<16xf32>
        %broadcast_in_dim3A_429 = arith.constant 0 : i32
        %broadcast_in_dim3A_430 = vector.broadcast %broadcast_in_dim3A_429 : i32 to vector<16xi32>
        %broadcast_in_dim3A_431 = arith.constant 0xFF800000 : f32
        %broadcast_in_dim3A_432 = vector.broadcast %broadcast_in_dim3A_431 : f32 to vector<16xf32>
        %broadcast_in_dim3A_433 = arith.constant 0 : i32
        %broadcast_in_dim3A_434 = vector.broadcast %broadcast_in_dim3A_433 : i32 to vector<16xi32>
        %broadcast_in_dim3A_435 = arith.constant 0xFF800000 : f32
        %broadcast_in_dim3A_436 = vector.broadcast %broadcast_in_dim3A_435 : f32 to vector<16xf32>
        %broadcast_in_dim3A_437 = arith.constant 0 : i32
        %broadcast_in_dim3A_438 = vector.broadcast %broadcast_in_dim3A_437 : i32 to vector<16xi32>
        %broadcast_in_dim3A_439 = arith.constant 0xFF800000 : f32
        %broadcast_in_dim3A_440 = vector.broadcast %broadcast_in_dim3A_439 : f32 to vector<16xf32>
        %broadcast_in_dim3A_441 = arith.constant 0 : i32
        %broadcast_in_dim3A_442 = vector.broadcast %broadcast_in_dim3A_441 : i32 to vector<16xi32>
        %scan3A_443 = arith.constant 0 : i32
        %scan3A_444 = arith.constant 167 : i32
        %scan3A_445 = arith.addi %scan3A_443, %scan3A_444 : i32
        %scan3A_446 = arith.constant 1 : i32
        %scan3A_447:16 = scf.for %scan3A_788 = %scan3A_443 to %scan3A_445 step %scan3A_446 iter_args(%scan3A_789 = %broadcast_in_dim3A_412, %scan3A_790 = %broadcast_in_dim3A_414, %scan3A_791 = %broadcast_in_dim3A_416, %scan3A_792 = %broadcast_in_dim3A_418, %scan3A_793 = %broadcast_in_dim3A_420, %scan3A_794 = %broadcast_in_dim3A_422, %scan3A_795 = %broadcast_in_dim3A_424, %scan3A_796 = %broadcast_in_dim3A_426, %scan3A_797 = %broadcast_in_dim3A_428, %scan3A_798 = %broadcast_in_dim3A_430, %scan3A_799 = %broadcast_in_dim3A_432, %scan3A_800 = %broadcast_in_dim3A_434, %scan3A_801 = %broadcast_in_dim3A_436, %scan3A_802 = %broadcast_in_dim3A_438, %scan3A_803 = %broadcast_in_dim3A_440, %scan3A_804 = %broadcast_in_dim3A_442) -> (vector<16xf32>, vector<16xi32>, vector<16xf32>, vector<16xi32>, vector<16xf32>, vector<16xi32>, vector<16xf32>, vector<16xi32>, vector<16xf32>, vector<16xi32>, vector<16xf32>, vector<16xi32>, vector<16xf32>, vector<16xi32>, vector<16xf32>, vector<16xi32>)  : i32 {
          %broadcast_in_dim3A_805 = arith.constant 0 : i32
          %broadcast_in_dim3A_806 = vector.broadcast %broadcast_in_dim3A_805 : i32 to vector<16xi32>
          %add3A_807 = vector.broadcast %scan3A_788 : i32 to vector<16xi32>
          %add3A_808 = arith.addi %broadcast_in_dim3A_806, %add3A_807 : vector<16xi32>
          %mul3A_809 = arith.constant 128 : i32
          %mul3A_810 = arith.muli %scan3A_788, %mul3A_809 : i32
          %add3A_811 = arith.constant 0 : i32
          %add3A_812 = arith.addi %mul3A_810, %add3A_811 : i32
          %get3A = arith.index_cast %add3A_812 : i32 to index
          %get3A_813 = tpu.vector_load %arg5[%get3A] {strides = array<i32>} : memref<21376xf32, #tpu.memory_space<vmem>>, vector<16xf32>,
          %get3A_814 = vector.shape_cast %get3A_813 : vector<16xf32> to vector<16xf32>
          %gt3A_815 = arith.cmpf ogt, %get3A_814, %scan3A_789 : vector<16xf32>
          %select_n3A_816 = arith.select %gt3A_815, %get3A_814, %scan3A_789 : vector<16xi1>, vector<16xf32>
          %select_n3A_817 = arith.select %gt3A_815, %add3A_808, %scan3A_790 : vector<16xi1>, vector<16xi32>
          %add3A_818 = arith.constant 16 : i32
          %add3A_819 = arith.addi %mul3A_810, %add3A_818 : i32
          %get3A_820 = arith.index_cast %add3A_819 : i32 to index
          %get3A_821 = tpu.vector_load %arg5[%get3A_820] {strides = array<i32>} : memref<21376xf32, #tpu.memory_space<vmem>>, vector<16xf32>,
          %get3A_822 = vector.shape_cast %get3A_821 : vector<16xf32> to vector<16xf32>
          %gt3A_823 = arith.cmpf ogt, %get3A_822, %scan3A_791 : vector<16xf32>
          %select_n3A_824 = arith.select %gt3A_823, %get3A_822, %scan3A_791 : vector<16xi1>, vector<16xf32>
          %select_n3A_825 = arith.select %gt3A_823, %add3A_808, %scan3A_792 : vector<16xi1>, vector<16xi32>
          %add3A_826 = arith.constant 32 : i32
          %add3A_827 = arith.addi %mul3A_810, %add3A_826 : i32
          %get3A_828 = arith.index_cast %add3A_827 : i32 to index
          %get3A_829 = tpu.vector_load %arg5[%get3A_828] {strides = array<i32>} : memref<21376xf32, #tpu.memory_space<vmem>>, vector<16xf32>,
          %get3A_830 = vector.shape_cast %get3A_829 : vector<16xf32> to vector<16xf32>
          %gt3A_831 = arith.cmpf ogt, %get3A_830, %scan3A_793 : vector<16xf32>
          %select_n3A_832 = arith.select %gt3A_831, %get3A_830, %scan3A_793 : vector<16xi1>, vector<16xf32>
          %select_n3A_833 = arith.select %gt3A_831, %add3A_808, %scan3A_794 : vector<16xi1>, vector<16xi32>
          %add3A_834 = arith.constant 48 : i32
          %add3A_835 = arith.addi %mul3A_810, %add3A_834 : i32
          %get3A_836 = arith.index_cast %add3A_835 : i32 to index
          %get3A_837 = tpu.vector_load %arg5[%get3A_836] {strides = array<i32>} : memref<21376xf32, #tpu.memory_space<vmem>>, vector<16xf32>,
          %get3A_838 = vector.shape_cast %get3A_837 : vector<16xf32> to vector<16xf32>
          %gt3A_839 = arith.cmpf ogt, %get3A_838, %scan3A_795 : vector<16xf32>
          %select_n3A_840 = arith.select %gt3A_839, %get3A_838, %scan3A_795 : vector<16xi1>, vector<16xf32>
          %select_n3A_841 = arith.select %gt3A_839, %add3A_808, %scan3A_796 : vector<16xi1>, vector<16xi32>
          %add3A_842 = arith.constant 64 : i32
          %add3A_843 = arith.addi %mul3A_810, %add3A_842 : i32
          %get3A_844 = arith.index_cast %add3A_843 : i32 to index
          %get3A_845 = tpu.vector_load %arg5[%get3A_844] {strides = array<i32>} : memref<21376xf32, #tpu.memory_space<vmem>>, vector<16xf32>,
          %get3A_846 = vector.shape_cast %get3A_845 : vector<16xf32> to vector<16xf32>
          %gt3A_847 = arith.cmpf ogt, %get3A_846, %scan3A_797 : vector<16xf32>
          %select_n3A_848 = arith.select %gt3A_847, %get3A_846, %scan3A_797 : vector<16xi1>, vector<16xf32>
          %select_n3A_849 = arith.select %gt3A_847, %add3A_808, %scan3A_798 : vector<16xi1>, vector<16xi32>
          %add3A_850 = arith.constant 80 : i32
          %add3A_851 = arith.addi %mul3A_810, %add3A_850 : i32
          %get3A_852 = arith.index_cast %add3A_851 : i32 to index
          %get3A_853 = tpu.vector_load %arg5[%get3A_852] {strides = array<i32>} : memref<21376xf32, #tpu.memory_space<vmem>>, vector<16xf32>,
          %get3A_854 = vector.shape_cast %get3A_853 : vector<16xf32> to vector<16xf32>
          %gt3A_855 = arith.cmpf ogt, %get3A_854, %scan3A_799 : vector<16xf32>
          %select_n3A_856 = arith.select %gt3A_855, %get3A_854, %scan3A_799 : vector<16xi1>, vector<16xf32>
          %select_n3A_857 = arith.select %gt3A_855, %add3A_808, %scan3A_800 : vector<16xi1>, vector<16xi32>
          %add3A_858 = arith.constant 96 : i32
          %add3A_859 = arith.addi %mul3A_810, %add3A_858 : i32
          %get3A_860 = arith.index_cast %add3A_859 : i32 to index
          %get3A_861 = tpu.vector_load %arg5[%get3A_860] {strides = array<i32>} : memref<21376xf32, #tpu.memory_space<vmem>>, vector<16xf32>,
          %get3A_862 = vector.shape_cast %get3A_861 : vector<16xf32> to vector<16xf32>
          %gt3A_863 = arith.cmpf ogt, %get3A_862, %scan3A_801 : vector<16xf32>
          %select_n3A_864 = arith.select %gt3A_863, %get3A_862, %scan3A_801 : vector<16xi1>, vector<16xf32>
          %select_n3A_865 = arith.select %gt3A_863, %add3A_808, %scan3A_802 : vector<16xi1>, vector<16xi32>
          %add3A_866 = arith.constant 112 : i32
          %add3A_867 = arith.addi %mul3A_810, %add3A_866 : i32
          %get3A_868 = arith.index_cast %add3A_867 : i32 to index
          %get3A_869 = tpu.vector_load %arg5[%get3A_868] {strides = array<i32>} : memref<21376xf32, #tpu.memory_space<vmem>>, vector<16xf32>,
          %get3A_870 = vector.shape_cast %get3A_869 : vector<16xf32> to vector<16xf32>
          %gt3A_871 = arith.cmpf ogt, %get3A_870, %scan3A_803 : vector<16xf32>
          %select_n3A_872 = arith.select %gt3A_871, %get3A_870, %scan3A_803 : vector<16xi1>, vector<16xf32>
          %select_n3A_873 = arith.select %gt3A_871, %add3A_808, %scan3A_804 : vector<16xi1>, vector<16xi32>
          scf.yield %select_n3A_816, %select_n3A_817, %select_n3A_824, %select_n3A_825, %select_n3A_832, %select_n3A_833, %select_n3A_840, %select_n3A_841, %select_n3A_848, %select_n3A_849, %select_n3A_856, %select_n3A_857, %select_n3A_864, %select_n3A_865, %select_n3A_872, %select_n3A_873 : vector<16xf32>, vector<16xi32>, vector<16xf32>, vector<16xi32>, vector<16xf32>, vector<16xi32>, vector<16xf32>, vector<16xi32>, vector<16xf32>, vector<16xi32>, vector<16xf32>, vector<16xi32>, vector<16xf32>, vector<16xi32>, vector<16xf32>, vector<16xi32>
        }
        %scan3A_448 = arith.constant 167 : i32
        %broadcast_in_dim3A_449 = arith.constant 0xFF800000 : f32
        %broadcast_in_dim3A_450 = vector.broadcast %broadcast_in_dim3A_449 : f32 to vector<16xf32>
        %broadcast_in_dim3A_451 = arith.constant 2147483647 : i32
        %broadcast_in_dim3A_452 = vector.broadcast %broadcast_in_dim3A_451 : i32 to vector<16xi32>
        %mul3A_453 = arith.constant 128 : i32
        %mul3A_454 = vector.broadcast %mul3A_453 : i32 to vector<16xi32>
        %mul3A_455 = arith.muli %scan3A_447#1, %mul3A_454 : vector<16xi32>
        %add3A_456 = arith.constant 0 : i32
        %add3A_457 = arith.addi %add3A_410, %add3A_456 : i32
        %add3A_458 = vector.broadcast %add3A_457 : i32 to vector<16xi32>
        %add3A_459 = arith.addi %mul3A_455, %add3A_458 : vector<16xi32>
        %add3A_460 = arith.addi %add3A_459, %iota3A : vector<16xi32>
        %gt3A_461 = arith.cmpf ogt, %scan3A_447#0, %broadcast_in_dim3A_450 : vector<16xf32>
        %eq3A_462 = arith.cmpf oeq, %scan3A_447#0, %broadcast_in_dim3A_450 : vector<16xf32>
        %lt3A_463 = arith.cmpi slt, %add3A_460, %broadcast_in_dim3A_452 : vector<16xi32>
        %and3A_464 = arith.andi %eq3A_462, %lt3A_463 : vector<16xi1>
        %or3A_465 = arith.ori %gt3A_461, %and3A_464 : vector<16xi1>
        %select_n3A_466 = arith.select %or3A_465, %scan3A_447#0, %broadcast_in_dim3A_450 : vector<16xi1>, vector<16xf32>
        %select_n3A_467 = arith.select %or3A_465, %add3A_460, %broadcast_in_dim3A_452 : vector<16xi1>, vector<16xi32>
        %mul3A_468 = arith.constant 128 : i32
        %mul3A_469 = vector.broadcast %mul3A_468 : i32 to vector<16xi32>
        %mul3A_470 = arith.muli %scan3A_447#3, %mul3A_469 : vector<16xi32>
        %add3A_471 = arith.constant 16 : i32
        %add3A_472 = arith.addi %add3A_410, %add3A_471 : i32
        %add3A_473 = vector.broadcast %add3A_472 : i32 to vector<16xi32>
        %add3A_474 = arith.addi %mul3A_470, %add3A_473 : vector<16xi32>
        %add3A_475 = arith.addi %add3A_474, %iota3A : vector<16xi32>
        %gt3A_476 = arith.cmpf ogt, %scan3A_447#2, %select_n3A_466 : vector<16xf32>
        %eq3A_477 = arith.cmpf oeq, %scan3A_447#2, %select_n3A_466 : vector<16xf32>
        %lt3A_478 = arith.cmpi slt, %add3A_475, %select_n3A_467 : vector<16xi32>
        %and3A_479 = arith.andi %eq3A_477, %lt3A_478 : vector<16xi1>
        %or3A_480 = arith.ori %gt3A_476, %and3A_479 : vector<16xi1>
        %select_n3A_481 = arith.select %or3A_480, %scan3A_447#2, %select_n3A_466 : vector<16xi1>, vector<16xf32>
        %select_n3A_482 = arith.select %or3A_480, %add3A_475, %select_n3A_467 : vector<16xi1>, vector<16xi32>
        %mul3A_483 = arith.constant 128 : i32
        %mul3A_484 = vector.broadcast %mul3A_483 : i32 to vector<16xi32>
        %mul3A_485 = arith.muli %scan3A_447#5, %mul3A_484 : vector<16xi32>
        %add3A_486 = arith.constant 32 : i32
        %add3A_487 = arith.addi %add3A_410, %add3A_486 : i32
        %add3A_488 = vector.broadcast %add3A_487 : i32 to vector<16xi32>
        %add3A_489 = arith.addi %mul3A_485, %add3A_488 : vector<16xi32>
        %add3A_490 = arith.addi %add3A_489, %iota3A : vector<16xi32>
        %gt3A_491 = arith.cmpf ogt, %scan3A_447#4, %select_n3A_481 : vector<16xf32>
        %eq3A_492 = arith.cmpf oeq, %scan3A_447#4, %select_n3A_481 : vector<16xf32>
        %lt3A_493 = arith.cmpi slt, %add3A_490, %select_n3A_482 : vector<16xi32>
        %and3A_494 = arith.andi %eq3A_492, %lt3A_493 : vector<16xi1>
        %or3A_495 = arith.ori %gt3A_491, %and3A_494 : vector<16xi1>
        %select_n3A_496 = arith.select %or3A_495, %scan3A_447#4, %select_n3A_481 : vector<16xi1>, vector<16xf32>
        %select_n3A_497 = arith.select %or3A_495, %add3A_490, %select_n3A_482 : vector<16xi1>, vector<16xi32>
        %mul3A_498 = arith.constant 128 : i32
        %mul3A_499 = vector.broadcast %mul3A_498 : i32 to vector<16xi32>
        %mul3A_500 = arith.muli %scan3A_447#7, %mul3A_499 : vector<16xi32>
        %add3A_501 = arith.constant 48 : i32
        %add3A_502 = arith.addi %add3A_410, %add3A_501 : i32
        %add3A_503 = vector.broadcast %add3A_502 : i32 to vector<16xi32>
        %add3A_504 = arith.addi %mul3A_500, %add3A_503 : vector<16xi32>
        %add3A_505 = arith.addi %add3A_504, %iota3A : vector<16xi32>
        %gt3A_506 = arith.cmpf ogt, %scan3A_447#6, %select_n3A_496 : vector<16xf32>
        %eq3A_507 = arith.cmpf oeq, %scan3A_447#6, %select_n3A_496 : vector<16xf32>
        %lt3A_508 = arith.cmpi slt, %add3A_505, %select_n3A_497 : vector<16xi32>
        %and3A_509 = arith.andi %eq3A_507, %lt3A_508 : vector<16xi1>
        %or3A_510 = arith.ori %gt3A_506, %and3A_509 : vector<16xi1>
        %select_n3A_511 = arith.select %or3A_510, %scan3A_447#6, %select_n3A_496 : vector<16xi1>, vector<16xf32>
        %select_n3A_512 = arith.select %or3A_510, %add3A_505, %select_n3A_497 : vector<16xi1>, vector<16xi32>
        %mul3A_513 = arith.constant 128 : i32
        %mul3A_514 = vector.broadcast %mul3A_513 : i32 to vector<16xi32>
        %mul3A_515 = arith.muli %scan3A_447#9, %mul3A_514 : vector<16xi32>
        %add3A_516 = arith.constant 64 : i32
        %add3A_517 = arith.addi %add3A_410, %add3A_516 : i32
        %add3A_518 = vector.broadcast %add3A_517 : i32 to vector<16xi32>
        %add3A_519 = arith.addi %mul3A_515, %add3A_518 : vector<16xi32>
        %add3A_520 = arith.addi %add3A_519, %iota3A : vector<16xi32>
        %gt3A_521 = arith.cmpf ogt, %scan3A_447#8, %select_n3A_511 : vector<16xf32>
        %eq3A_522 = arith.cmpf oeq, %scan3A_447#8, %select_n3A_511 : vector<16xf32>
        %lt3A_523 = arith.cmpi slt, %add3A_520, %select_n3A_512 : vector<16xi32>
        %and3A_524 = arith.andi %eq3A_522, %lt3A_523 : vector<16xi1>
        %or3A_525 = arith.ori %gt3A_521, %and3A_524 : vector<16xi1>
        %select_n3A_526 = arith.select %or3A_525, %scan3A_447#8, %select_n3A_511 : vector<16xi1>, vector<16xf32>
        %select_n3A_527 = arith.select %or3A_525, %add3A_520, %select_n3A_512 : vector<16xi1>, vector<16xi32>
        %mul3A_528 = arith.constant 128 : i32
        %mul3A_529 = vector.broadcast %mul3A_528 : i32 to vector<16xi32>
        %mul3A_530 = arith.muli %scan3A_447#11, %mul3A_529 : vector<16xi32>
        %add3A_531 = arith.constant 80 : i32
        %add3A_532 = arith.addi %add3A_410, %add3A_531 : i32
        %add3A_533 = vector.broadcast %add3A_532 : i32 to vector<16xi32>
        %add3A_534 = arith.addi %mul3A_530, %add3A_533 : vector<16xi32>
        %add3A_535 = arith.addi %add3A_534, %iota3A : vector<16xi32>
        %gt3A_536 = arith.cmpf ogt, %scan3A_447#10, %select_n3A_526 : vector<16xf32>
        %eq3A_537 = arith.cmpf oeq, %scan3A_447#10, %select_n3A_526 : vector<16xf32>
        %lt3A_538 = arith.cmpi slt, %add3A_535, %select_n3A_527 : vector<16xi32>
        %and3A_539 = arith.andi %eq3A_537, %lt3A_538 : vector<16xi1>
        %or3A_540 = arith.ori %gt3A_536, %and3A_539 : vector<16xi1>
        %select_n3A_541 = arith.select %or3A_540, %scan3A_447#10, %select_n3A_526 : vector<16xi1>, vector<16xf32>
        %select_n3A_542 = arith.select %or3A_540, %add3A_535, %select_n3A_527 : vector<16xi1>, vector<16xi32>
        %mul3A_543 = arith.constant 128 : i32
        %mul3A_544 = vector.broadcast %mul3A_543 : i32 to vector<16xi32>
        %mul3A_545 = arith.muli %scan3A_447#13, %mul3A_544 : vector<16xi32>
        %add3A_546 = arith.constant 96 : i32
        %add3A_547 = arith.addi %add3A_410, %add3A_546 : i32
        %add3A_548 = vector.broadcast %add3A_547 : i32 to vector<16xi32>
        %add3A_549 = arith.addi %mul3A_545, %add3A_548 : vector<16xi32>
        %add3A_550 = arith.addi %add3A_549, %iota3A : vector<16xi32>
        %gt3A_551 = arith.cmpf ogt, %scan3A_447#12, %select_n3A_541 : vector<16xf32>
        %eq3A_552 = arith.cmpf oeq, %scan3A_447#12, %select_n3A_541 : vector<16xf32>
        %lt3A_553 = arith.cmpi slt, %add3A_550, %select_n3A_542 : vector<16xi32>
        %and3A_554 = arith.andi %eq3A_552, %lt3A_553 : vector<16xi1>
        %or3A_555 = arith.ori %gt3A_551, %and3A_554 : vector<16xi1>
        %select_n3A_556 = arith.select %or3A_555, %scan3A_447#12, %select_n3A_541 : vector<16xi1>, vector<16xf32>
        %select_n3A_557 = arith.select %or3A_555, %add3A_550, %select_n3A_542 : vector<16xi1>, vector<16xi32>
        %mul3A_558 = arith.constant 128 : i32
        %mul3A_559 = vector.broadcast %mul3A_558 : i32 to vector<16xi32>
        %mul3A_560 = arith.muli %scan3A_447#15, %mul3A_559 : vector<16xi32>
        %add3A_561 = arith.constant 112 : i32
        %add3A_562 = arith.addi %add3A_410, %add3A_561 : i32
        %add3A_563 = vector.broadcast %add3A_562 : i32 to vector<16xi32>
        %add3A_564 = arith.addi %mul3A_560, %add3A_563 : vector<16xi32>
        %add3A_565 = arith.addi %add3A_564, %iota3A : vector<16xi32>
        %gt3A_566 = arith.cmpf ogt, %scan3A_447#14, %select_n3A_556 : vector<16xf32>
        %eq3A_567 = arith.cmpf oeq, %scan3A_447#14, %select_n3A_556 : vector<16xf32>
        %lt3A_568 = arith.cmpi slt, %add3A_565, %select_n3A_557 : vector<16xi32>
        %and3A_569 = arith.andi %eq3A_567, %lt3A_568 : vector<16xi1>
        %or3A_570 = arith.ori %gt3A_566, %and3A_569 : vector<16xi1>
        %select_n3A_571 = arith.select %or3A_570, %scan3A_447#14, %select_n3A_556 : vector<16xi1>, vector<16xf32>
        %select_n3A_572 = arith.select %or3A_570, %add3A_565, %select_n3A_557 : vector<16xi1>, vector<16xi32>
        %gt3A_573 = arith.cmpf ogt, %select_n3A_571, %select_n3A_370 : vector<16xf32>
        %eq3A_574 = arith.cmpf oeq, %select_n3A_571, %select_n3A_370 : vector<16xf32>
        %lt3A_575 = arith.cmpi slt, %select_n3A_572, %select_n3A_371 : vector<16xi32>
        %and3A_576 = arith.andi %eq3A_574, %lt3A_575 : vector<16xi1>
        %or3A_577 = arith.ori %gt3A_573, %and3A_576 : vector<16xi1>
        %select_n3A_578 = arith.select %or3A_577, %select_n3A_571, %select_n3A_370 : vector<16xi1>, vector<16xf32>
        %select_n3A_579 = arith.select %or3A_577, %select_n3A_572, %select_n3A_371 : vector<16xi1>, vector<16xi32>
        %mul3A_580 = arith.constant 3 : i32
        %mul3A_581 = arith.muli %mul3A_580, %scan3A_156 : i32
        %add3A_582 = arith.constant 2 : i32
        %add3A_583 = arith.addi %mul3A_581, %add3A_582 : i32
        %add3A_584 = arith.constant 2 : i32
        %add3A_585 = arith.addi %add3A_583, %add3A_584 : i32
        %lt3A_586 = arith.constant 6 : i32
        %lt3A_587 = arith.cmpi slt, %add3A_585, %lt3A_586 : i32
        %add3A_588 = arith.constant 1 : i32
        %add3A_589 = arith.addi %scan3A_29, %add3A_588 : i32
        %select_n3A_590 = arith.select %lt3A_587, %scan3A_29, %add3A_589 : i32
        %lt3A_591 = arith.constant 6 : i32
        %lt3A_592 = arith.cmpi slt, %add3A_585, %lt3A_591 : i32
        %sub3A_593 = arith.constant 6 : i32
        %sub3A_594 = arith.subi %add3A_585, %sub3A_593 : i32
        %select_n3A_595 = arith.select %lt3A_592, %add3A_585, %sub3A_594 : i32
        %add3A_596 = arith.constant 2 : i32
        %add3A_597 = arith.addi %add3A_163, %add3A_596 : i32
        %add3A_598 = arith.constant 2 : i32
        %add3A_599 = arith.addi %add3A_597, %add3A_598 : i32
        %lt3A_600 = arith.constant 24 : i32
        %lt3A_601 = arith.cmpi slt, %add3A_599, %lt3A_600 : i32
        %convert_element_type3A_602 = arith.extui %lt3A_601 : i1 to i32
        %cond3A_603 = arith.constant 0 : i32
        %cond3A_604 = arith.cmpi ne, %convert_element_type3A_602, %cond3A_603 : i32
        scf.if %cond3A_604 {
          %add3A_788 = arith.addi %mul3A_2, %select_n3A_590 : i32
          %mul3A_789 = arith.constant 21376 : i32
          %mul3A_790 = arith.muli %select_n3A_595, %mul3A_789 : i32
          %multiple_of3A_791 = tpu.assume_multiple %mul3A_790, 8 : i32
          %dma_start3A_792 = tpu.memref_slice %arg2[%add3A_788, %multiple_of3A_791] : memref<256x128256xf32, #tpu.memory_space<hbm>> -> memref<1x21376xf32, #tpu.memory_space<hbm>>
          %dma_start3A_793 = tpu.memref_squeeze %dma_start3A_792 : memref<1x21376xf32, #tpu.memory_space<hbm>> -> memref<21376xf32, #tpu.memory_space<hbm>>
          %dma_start3A_794 = tpu.memref_slice %arg2[%add3A_788, %multiple_of3A_791] : memref<256x128256xf32, #tpu.memory_space<hbm>> -> memref<1x21376xf32, #tpu.memory_space<hbm>>
          %dma_start3A_795 = tpu.memref_squeeze %dma_start3A_794 : memref<1x21376xf32, #tpu.memory_space<hbm>> -> memref<21376xf32, #tpu.memory_space<hbm>>
          tpu.enqueue_dma source(%dma_start3A_795 : memref<21376xf32, #tpu.memory_space<hbm>>) target(%arg5 : memref<21376xf32, #tpu.memory_space<vmem>>) target_semaphore(%arg9 : memref<!tpu.dma_semaphore, #tpu.memory_space<semaphore_mem>>)
        } else {
        }
        %mul3A_605 = arith.constant 3 : i32
        %mul3A_606 = arith.muli %mul3A_605, %scan3A_156 : i32
        %add3A_607 = arith.constant 2 : i32
        %add3A_608 = arith.addi %mul3A_606, %add3A_607 : i32
        %add3A_609 = arith.addi %mul3A_2, %scan3A_29 : i32
        %mul3A_610 = arith.constant 21376 : i32
        %mul3A_611 = arith.muli %add3A_608, %mul3A_610 : i32
        %multiple_of3A_612 = tpu.assume_multiple %mul3A_611, 8 : i32
        %dma_wait3A_613 = tpu.memref_slice %arg2[%add3A_609, %multiple_of3A_612] : memref<256x128256xf32, #tpu.memory_space<hbm>> -> memref<1x21376xf32, #tpu.memory_space<hbm>>
        %dma_wait3A_614 = tpu.memref_squeeze %dma_wait3A_613 : memref<1x21376xf32, #tpu.memory_space<hbm>> -> memref<21376xf32, #tpu.memory_space<hbm>>
        %dma_wait3A_615 = tpu.memref_slice %arg2[%add3A_609, %multiple_of3A_612] : memref<256x128256xf32, #tpu.memory_space<hbm>> -> memref<1x21376xf32, #tpu.memory_space<hbm>>
        %dma_wait3A_616 = tpu.memref_squeeze %dma_wait3A_615 : memref<1x21376xf32, #tpu.memory_space<hbm>> -> memref<21376xf32, #tpu.memory_space<hbm>>
        tpu.wait_dma2 semaphore(%arg10 : memref<!tpu.dma_semaphore, #tpu.memory_space<semaphore_mem>>) src(%dma_wait3A_616 : memref<21376xf32, #tpu.memory_space<hbm>>) dst(%arg6 : memref<21376xf32, #tpu.memory_space<vmem>>)
        %add3A_617 = arith.constant 42752 : i32
        %add3A_618 = arith.addi %mul3A_167, %add3A_617 : i32
        %broadcast_in_dim3A_619 = arith.constant 0xFF800000 : f32
        %broadcast_in_dim3A_620 = vector.broadcast %broadcast_in_dim3A_619 : f32 to vector<16xf32>
        %broadcast_in_dim3A_621 = arith.constant 0 : i32
        %broadcast_in_dim3A_622 = vector.broadcast %broadcast_in_dim3A_621 : i32 to vector<16xi32>
        %broadcast_in_dim3A_623 = arith.constant 0xFF800000 : f32
        %broadcast_in_dim3A_624 = vector.broadcast %broadcast_in_dim3A_623 : f32 to vector<16xf32>
        %broadcast_in_dim3A_625 = arith.constant 0 : i32
        %broadcast_in_dim3A_626 = vector.broadcast %broadcast_in_dim3A_625 : i32 to vector<16xi32>
        %broadcast_in_dim3A_627 = arith.constant 0xFF800000 : f32
        %broadcast_in_dim3A_628 = vector.broadcast %broadcast_in_dim3A_627 : f32 to vector<16xf32>
        %broadcast_in_dim3A_629 = arith.constant 0 : i32
        %broadcast_in_dim3A_630 = vector.broadcast %broadcast_in_dim3A_629 : i32 to vector<16xi32>
        %broadcast_in_dim3A_631 = arith.constant 0xFF800000 : f32
        %broadcast_in_dim3A_632 = vector.broadcast %broadcast_in_dim3A_631 : f32 to vector<16xf32>
        %broadcast_in_dim3A_633 = arith.constant 0 : i32
        %broadcast_in_dim3A_634 = vector.broadcast %broadcast_in_dim3A_633 : i32 to vector<16xi32>
        %broadcast_in_dim3A_635 = arith.constant 0xFF800000 : f32
        %broadcast_in_dim3A_636 = vector.broadcast %broadcast_in_dim3A_635 : f32 to vector<16xf32>
        %broadcast_in_dim3A_637 = arith.constant 0 : i32
        %broadcast_in_dim3A_638 = vector.broadcast %broadcast_in_dim3A_637 : i32 to vector<16xi32>
        %broadcast_in_dim3A_639 = arith.constant 0xFF800000 : f32
        %broadcast_in_dim3A_640 = vector.broadcast %broadcast_in_dim3A_639 : f32 to vector<16xf32>
        %broadcast_in_dim3A_641 = arith.constant 0 : i32
        %broadcast_in_dim3A_642 = vector.broadcast %broadcast_in_dim3A_641 : i32 to vector<16xi32>
        %broadcast_in_dim3A_643 = arith.constant 0xFF800000 : f32
        %broadcast_in_dim3A_644 = vector.broadcast %broadcast_in_dim3A_643 : f32 to vector<16xf32>
        %broadcast_in_dim3A_645 = arith.constant 0 : i32
        %broadcast_in_dim3A_646 = vector.broadcast %broadcast_in_dim3A_645 : i32 to vector<16xi32>
        %broadcast_in_dim3A_647 = arith.constant 0xFF800000 : f32
        %broadcast_in_dim3A_648 = vector.broadcast %broadcast_in_dim3A_647 : f32 to vector<16xf32>
        %broadcast_in_dim3A_649 = arith.constant 0 : i32
        %broadcast_in_dim3A_650 = vector.broadcast %broadcast_in_dim3A_649 : i32 to vector<16xi32>
        %scan3A_651 = arith.constant 0 : i32
        %scan3A_652 = arith.constant 167 : i32
        %scan3A_653 = arith.addi %scan3A_651, %scan3A_652 : i32
        %scan3A_654 = arith.constant 1 : i32
        %scan3A_655:16 = scf.for %scan3A_788 = %scan3A_651 to %scan3A_653 step %scan3A_654 iter_args(%scan3A_789 = %broadcast_in_dim3A_620, %scan3A_790 = %broadcast_in_dim3A_622, %scan3A_791 = %broadcast_in_dim3A_624, %scan3A_792 = %broadcast_in_dim3A_626, %scan3A_793 = %broadcast_in_dim3A_628, %scan3A_794 = %broadcast_in_dim3A_630, %scan3A_795 = %broadcast_in_dim3A_632, %scan3A_796 = %broadcast_in_dim3A_634, %scan3A_797 = %broadcast_in_dim3A_636, %scan3A_798 = %broadcast_in_dim3A_638, %scan3A_799 = %broadcast_in_dim3A_640, %scan3A_800 = %broadcast_in_dim3A_642, %scan3A_801 = %broadcast_in_dim3A_644, %scan3A_802 = %broadcast_in_dim3A_646, %scan3A_803 = %broadcast_in_dim3A_648, %scan3A_804 = %broadcast_in_dim3A_650) -> (vector<16xf32>, vector<16xi32>, vector<16xf32>, vector<16xi32>, vector<16xf32>, vector<16xi32>, vector<16xf32>, vector<16xi32>, vector<16xf32>, vector<16xi32>, vector<16xf32>, vector<16xi32>, vector<16xf32>, vector<16xi32>, vector<16xf32>, vector<16xi32>)  : i32 {
          %broadcast_in_dim3A_805 = arith.constant 0 : i32
          %broadcast_in_dim3A_806 = vector.broadcast %broadcast_in_dim3A_805 : i32 to vector<16xi32>
          %add3A_807 = vector.broadcast %scan3A_788 : i32 to vector<16xi32>
          %add3A_808 = arith.addi %broadcast_in_dim3A_806, %add3A_807 : vector<16xi32>
          %mul3A_809 = arith.constant 128 : i32
          %mul3A_810 = arith.muli %scan3A_788, %mul3A_809 : i32
          %add3A_811 = arith.constant 0 : i32
          %add3A_812 = arith.addi %mul3A_810, %add3A_811 : i32
          %get3A = arith.index_cast %add3A_812 : i32 to index
          %get3A_813 = tpu.vector_load %arg6[%get3A] {strides = array<i32>} : memref<21376xf32, #tpu.memory_space<vmem>>, vector<16xf32>,
          %get3A_814 = vector.shape_cast %get3A_813 : vector<16xf32> to vector<16xf32>
          %gt3A_815 = arith.cmpf ogt, %get3A_814, %scan3A_789 : vector<16xf32>
          %select_n3A_816 = arith.select %gt3A_815, %get3A_814, %scan3A_789 : vector<16xi1>, vector<16xf32>
          %select_n3A_817 = arith.select %gt3A_815, %add3A_808, %scan3A_790 : vector<16xi1>, vector<16xi32>
          %add3A_818 = arith.constant 16 : i32
          %add3A_819 = arith.addi %mul3A_810, %add3A_818 : i32
          %get3A_820 = arith.index_cast %add3A_819 : i32 to index
          %get3A_821 = tpu.vector_load %arg6[%get3A_820] {strides = array<i32>} : memref<21376xf32, #tpu.memory_space<vmem>>, vector<16xf32>,
          %get3A_822 = vector.shape_cast %get3A_821 : vector<16xf32> to vector<16xf32>
          %gt3A_823 = arith.cmpf ogt, %get3A_822, %scan3A_791 : vector<16xf32>
          %select_n3A_824 = arith.select %gt3A_823, %get3A_822, %scan3A_791 : vector<16xi1>, vector<16xf32>
          %select_n3A_825 = arith.select %gt3A_823, %add3A_808, %scan3A_792 : vector<16xi1>, vector<16xi32>
          %add3A_826 = arith.constant 32 : i32
          %add3A_827 = arith.addi %mul3A_810, %add3A_826 : i32
          %get3A_828 = arith.index_cast %add3A_827 : i32 to index
          %get3A_829 = tpu.vector_load %arg6[%get3A_828] {strides = array<i32>} : memref<21376xf32, #tpu.memory_space<vmem>>, vector<16xf32>,
          %get3A_830 = vector.shape_cast %get3A_829 : vector<16xf32> to vector<16xf32>
          %gt3A_831 = arith.cmpf ogt, %get3A_830, %scan3A_793 : vector<16xf32>
          %select_n3A_832 = arith.select %gt3A_831, %get3A_830, %scan3A_793 : vector<16xi1>, vector<16xf32>
          %select_n3A_833 = arith.select %gt3A_831, %add3A_808, %scan3A_794 : vector<16xi1>, vector<16xi32>
          %add3A_834 = arith.constant 48 : i32
          %add3A_835 = arith.addi %mul3A_810, %add3A_834 : i32
          %get3A_836 = arith.index_cast %add3A_835 : i32 to index
          %get3A_837 = tpu.vector_load %arg6[%get3A_836] {strides = array<i32>} : memref<21376xf32, #tpu.memory_space<vmem>>, vector<16xf32>,
          %get3A_838 = vector.shape_cast %get3A_837 : vector<16xf32> to vector<16xf32>
          %gt3A_839 = arith.cmpf ogt, %get3A_838, %scan3A_795 : vector<16xf32>
          %select_n3A_840 = arith.select %gt3A_839, %get3A_838, %scan3A_795 : vector<16xi1>, vector<16xf32>
          %select_n3A_841 = arith.select %gt3A_839, %add3A_808, %scan3A_796 : vector<16xi1>, vector<16xi32>
          %add3A_842 = arith.constant 64 : i32
          %add3A_843 = arith.addi %mul3A_810, %add3A_842 : i32
          %get3A_844 = arith.index_cast %add3A_843 : i32 to index
          %get3A_845 = tpu.vector_load %arg6[%get3A_844] {strides = array<i32>} : memref<21376xf32, #tpu.memory_space<vmem>>, vector<16xf32>,
          %get3A_846 = vector.shape_cast %get3A_845 : vector<16xf32> to vector<16xf32>
          %gt3A_847 = arith.cmpf ogt, %get3A_846, %scan3A_797 : vector<16xf32>
          %select_n3A_848 = arith.select %gt3A_847, %get3A_846, %scan3A_797 : vector<16xi1>, vector<16xf32>
          %select_n3A_849 = arith.select %gt3A_847, %add3A_808, %scan3A_798 : vector<16xi1>, vector<16xi32>
          %add3A_850 = arith.constant 80 : i32
          %add3A_851 = arith.addi %mul3A_810, %add3A_850 : i32
          %get3A_852 = arith.index_cast %add3A_851 : i32 to index
          %get3A_853 = tpu.vector_load %arg6[%get3A_852] {strides = array<i32>} : memref<21376xf32, #tpu.memory_space<vmem>>, vector<16xf32>,
          %get3A_854 = vector.shape_cast %get3A_853 : vector<16xf32> to vector<16xf32>
          %gt3A_855 = arith.cmpf ogt, %get3A_854, %scan3A_799 : vector<16xf32>
          %select_n3A_856 = arith.select %gt3A_855, %get3A_854, %scan3A_799 : vector<16xi1>, vector<16xf32>
          %select_n3A_857 = arith.select %gt3A_855, %add3A_808, %scan3A_800 : vector<16xi1>, vector<16xi32>
          %add3A_858 = arith.constant 96 : i32
          %add3A_859 = arith.addi %mul3A_810, %add3A_858 : i32
          %get3A_860 = arith.index_cast %add3A_859 : i32 to index
          %get3A_861 = tpu.vector_load %arg6[%get3A_860] {strides = array<i32>} : memref<21376xf32, #tpu.memory_space<vmem>>, vector<16xf32>,
          %get3A_862 = vector.shape_cast %get3A_861 : vector<16xf32> to vector<16xf32>
          %gt3A_863 = arith.cmpf ogt, %get3A_862, %scan3A_801 : vector<16xf32>
          %select_n3A_864 = arith.select %gt3A_863, %get3A_862, %scan3A_801 : vector<16xi1>, vector<16xf32>
          %select_n3A_865 = arith.select %gt3A_863, %add3A_808, %scan3A_802 : vector<16xi1>, vector<16xi32>
          %add3A_866 = arith.constant 112 : i32
          %add3A_867 = arith.addi %mul3A_810, %add3A_866 : i32
          %get3A_868 = arith.index_cast %add3A_867 : i32 to index
          %get3A_869 = tpu.vector_load %arg6[%get3A_868] {strides = array<i32>} : memref<21376xf32, #tpu.memory_space<vmem>>, vector<16xf32>,
          %get3A_870 = vector.shape_cast %get3A_869 : vector<16xf32> to vector<16xf32>
          %gt3A_871 = arith.cmpf ogt, %get3A_870, %scan3A_803 : vector<16xf32>
          %select_n3A_872 = arith.select %gt3A_871, %get3A_870, %scan3A_803 : vector<16xi1>, vector<16xf32>
          %select_n3A_873 = arith.select %gt3A_871, %add3A_808, %scan3A_804 : vector<16xi1>, vector<16xi32>
          scf.yield %select_n3A_816, %select_n3A_817, %select_n3A_824, %select_n3A_825, %select_n3A_832, %select_n3A_833, %select_n3A_840, %select_n3A_841, %select_n3A_848, %select_n3A_849, %select_n3A_856, %select_n3A_857, %select_n3A_864, %select_n3A_865, %select_n3A_872, %select_n3A_873 : vector<16xf32>, vector<16xi32>, vector<16xf32>, vector<16xi32>, vector<16xf32>, vector<16xi32>, vector<16xf32>, vector<16xi32>, vector<16xf32>, vector<16xi32>, vector<16xf32>, vector<16xi32>, vector<16xf32>, vector<16xi32>, vector<16xf32>, vector<16xi32>
        }
        %scan3A_656 = arith.constant 167 : i32
        %broadcast_in_dim3A_657 = arith.constant 0xFF800000 : f32
        %broadcast_in_dim3A_658 = vector.broadcast %broadcast_in_dim3A_657 : f32 to vector<16xf32>
        %broadcast_in_dim3A_659 = arith.constant 2147483647 : i32
        %broadcast_in_dim3A_660 = vector.broadcast %broadcast_in_dim3A_659 : i32 to vector<16xi32>
        %mul3A_661 = arith.constant 128 : i32
        %mul3A_662 = vector.broadcast %mul3A_661 : i32 to vector<16xi32>
        %mul3A_663 = arith.muli %scan3A_655#1, %mul3A_662 : vector<16xi32>
        %add3A_664 = arith.constant 0 : i32
        %add3A_665 = arith.addi %add3A_618, %add3A_664 : i32
        %add3A_666 = vector.broadcast %add3A_665 : i32 to vector<16xi32>
        %add3A_667 = arith.addi %mul3A_663, %add3A_666 : vector<16xi32>
        %add3A_668 = arith.addi %add3A_667, %iota3A : vector<16xi32>
        %gt3A_669 = arith.cmpf ogt, %scan3A_655#0, %broadcast_in_dim3A_658 : vector<16xf32>
        %eq3A_670 = arith.cmpf oeq, %scan3A_655#0, %broadcast_in_dim3A_658 : vector<16xf32>
        %lt3A_671 = arith.cmpi slt, %add3A_668, %broadcast_in_dim3A_660 : vector<16xi32>
        %and3A_672 = arith.andi %eq3A_670, %lt3A_671 : vector<16xi1>
        %or3A_673 = arith.ori %gt3A_669, %and3A_672 : vector<16xi1>
        %select_n3A_674 = arith.select %or3A_673, %scan3A_655#0, %broadcast_in_dim3A_658 : vector<16xi1>, vector<16xf32>
        %select_n3A_675 = arith.select %or3A_673, %add3A_668, %broadcast_in_dim3A_660 : vector<16xi1>, vector<16xi32>
        %mul3A_676 = arith.constant 128 : i32
        %mul3A_677 = vector.broadcast %mul3A_676 : i32 to vector<16xi32>
        %mul3A_678 = arith.muli %scan3A_655#3, %mul3A_677 : vector<16xi32>
        %add3A_679 = arith.constant 16 : i32
        %add3A_680 = arith.addi %add3A_618, %add3A_679 : i32
        %add3A_681 = vector.broadcast %add3A_680 : i32 to vector<16xi32>
        %add3A_682 = arith.addi %mul3A_678, %add3A_681 : vector<16xi32>
        %add3A_683 = arith.addi %add3A_682, %iota3A : vector<16xi32>
        %gt3A_684 = arith.cmpf ogt, %scan3A_655#2, %select_n3A_674 : vector<16xf32>
        %eq3A_685 = arith.cmpf oeq, %scan3A_655#2, %select_n3A_674 : vector<16xf32>
        %lt3A_686 = arith.cmpi slt, %add3A_683, %select_n3A_675 : vector<16xi32>
        %and3A_687 = arith.andi %eq3A_685, %lt3A_686 : vector<16xi1>
        %or3A_688 = arith.ori %gt3A_684, %and3A_687 : vector<16xi1>
        %select_n3A_689 = arith.select %or3A_688, %scan3A_655#2, %select_n3A_674 : vector<16xi1>, vector<16xf32>
        %select_n3A_690 = arith.select %or3A_688, %add3A_683, %select_n3A_675 : vector<16xi1>, vector<16xi32>
        %mul3A_691 = arith.constant 128 : i32
        %mul3A_692 = vector.broadcast %mul3A_691 : i32 to vector<16xi32>
        %mul3A_693 = arith.muli %scan3A_655#5, %mul3A_692 : vector<16xi32>
        %add3A_694 = arith.constant 32 : i32
        %add3A_695 = arith.addi %add3A_618, %add3A_694 : i32
        %add3A_696 = vector.broadcast %add3A_695 : i32 to vector<16xi32>
        %add3A_697 = arith.addi %mul3A_693, %add3A_696 : vector<16xi32>
        %add3A_698 = arith.addi %add3A_697, %iota3A : vector<16xi32>
        %gt3A_699 = arith.cmpf ogt, %scan3A_655#4, %select_n3A_689 : vector<16xf32>
        %eq3A_700 = arith.cmpf oeq, %scan3A_655#4, %select_n3A_689 : vector<16xf32>
        %lt3A_701 = arith.cmpi slt, %add3A_698, %select_n3A_690 : vector<16xi32>
        %and3A_702 = arith.andi %eq3A_700, %lt3A_701 : vector<16xi1>
        %or3A_703 = arith.ori %gt3A_699, %and3A_702 : vector<16xi1>
        %select_n3A_704 = arith.select %or3A_703, %scan3A_655#4, %select_n3A_689 : vector<16xi1>, vector<16xf32>
        %select_n3A_705 = arith.select %or3A_703, %add3A_698, %select_n3A_690 : vector<16xi1>, vector<16xi32>
        %mul3A_706 = arith.constant 128 : i32
        %mul3A_707 = vector.broadcast %mul3A_706 : i32 to vector<16xi32>
        %mul3A_708 = arith.muli %scan3A_655#7, %mul3A_707 : vector<16xi32>
        %add3A_709 = arith.constant 48 : i32
        %add3A_710 = arith.addi %add3A_618, %add3A_709 : i32
        %add3A_711 = vector.broadcast %add3A_710 : i32 to vector<16xi32>
        %add3A_712 = arith.addi %mul3A_708, %add3A_711 : vector<16xi32>
        %add3A_713 = arith.addi %add3A_712, %iota3A : vector<16xi32>
        %gt3A_714 = arith.cmpf ogt, %scan3A_655#6, %select_n3A_704 : vector<16xf32>
        %eq3A_715 = arith.cmpf oeq, %scan3A_655#6, %select_n3A_704 : vector<16xf32>
        %lt3A_716 = arith.cmpi slt, %add3A_713, %select_n3A_705 : vector<16xi32>
        %and3A_717 = arith.andi %eq3A_715, %lt3A_716 : vector<16xi1>
        %or3A_718 = arith.ori %gt3A_714, %and3A_717 : vector<16xi1>
        %select_n3A_719 = arith.select %or3A_718, %scan3A_655#6, %select_n3A_704 : vector<16xi1>, vector<16xf32>
        %select_n3A_720 = arith.select %or3A_718, %add3A_713, %select_n3A_705 : vector<16xi1>, vector<16xi32>
        %mul3A_721 = arith.constant 128 : i32
        %mul3A_722 = vector.broadcast %mul3A_721 : i32 to vector<16xi32>
        %mul3A_723 = arith.muli %scan3A_655#9, %mul3A_722 : vector<16xi32>
        %add3A_724 = arith.constant 64 : i32
        %add3A_725 = arith.addi %add3A_618, %add3A_724 : i32
        %add3A_726 = vector.broadcast %add3A_725 : i32 to vector<16xi32>
        %add3A_727 = arith.addi %mul3A_723, %add3A_726 : vector<16xi32>
        %add3A_728 = arith.addi %add3A_727, %iota3A : vector<16xi32>
        %gt3A_729 = arith.cmpf ogt, %scan3A_655#8, %select_n3A_719 : vector<16xf32>
        %eq3A_730 = arith.cmpf oeq, %scan3A_655#8, %select_n3A_719 : vector<16xf32>
        %lt3A_731 = arith.cmpi slt, %add3A_728, %select_n3A_720 : vector<16xi32>
        %and3A_732 = arith.andi %eq3A_730, %lt3A_731 : vector<16xi1>
        %or3A_733 = arith.ori %gt3A_729, %and3A_732 : vector<16xi1>
        %select_n3A_734 = arith.select %or3A_733, %scan3A_655#8, %select_n3A_719 : vector<16xi1>, vector<16xf32>
        %select_n3A_735 = arith.select %or3A_733, %add3A_728, %select_n3A_720 : vector<16xi1>, vector<16xi32>
        %mul3A_736 = arith.constant 128 : i32
        %mul3A_737 = vector.broadcast %mul3A_736 : i32 to vector<16xi32>
        %mul3A_738 = arith.muli %scan3A_655#11, %mul3A_737 : vector<16xi32>
        %add3A_739 = arith.constant 80 : i32
        %add3A_740 = arith.addi %add3A_618, %add3A_739 : i32
        %add3A_741 = vector.broadcast %add3A_740 : i32 to vector<16xi32>
        %add3A_742 = arith.addi %mul3A_738, %add3A_741 : vector<16xi32>
        %add3A_743 = arith.addi %add3A_742, %iota3A : vector<16xi32>
        %gt3A_744 = arith.cmpf ogt, %scan3A_655#10, %select_n3A_734 : vector<16xf32>
        %eq3A_745 = arith.cmpf oeq, %scan3A_655#10, %select_n3A_734 : vector<16xf32>
        %lt3A_746 = arith.cmpi slt, %add3A_743, %select_n3A_735 : vector<16xi32>
        %and3A_747 = arith.andi %eq3A_745, %lt3A_746 : vector<16xi1>
        %or3A_748 = arith.ori %gt3A_744, %and3A_747 : vector<16xi1>
        %select_n3A_749 = arith.select %or3A_748, %scan3A_655#10, %select_n3A_734 : vector<16xi1>, vector<16xf32>
        %select_n3A_750 = arith.select %or3A_748, %add3A_743, %select_n3A_735 : vector<16xi1>, vector<16xi32>
        %mul3A_751 = arith.constant 128 : i32
        %mul3A_752 = vector.broadcast %mul3A_751 : i32 to vector<16xi32>
        %mul3A_753 = arith.muli %scan3A_655#13, %mul3A_752 : vector<16xi32>
        %add3A_754 = arith.constant 96 : i32
        %add3A_755 = arith.addi %add3A_618, %add3A_754 : i32
        %add3A_756 = vector.broadcast %add3A_755 : i32 to vector<16xi32>
        %add3A_757 = arith.addi %mul3A_753, %add3A_756 : vector<16xi32>
        %add3A_758 = arith.addi %add3A_757, %iota3A : vector<16xi32>
        %gt3A_759 = arith.cmpf ogt, %scan3A_655#12, %select_n3A_749 : vector<16xf32>
        %eq3A_760 = arith.cmpf oeq, %scan3A_655#12, %select_n3A_749 : vector<16xf32>
        %lt3A_761 = arith.cmpi slt, %add3A_758, %select_n3A_750 : vector<16xi32>
        %and3A_762 = arith.andi %eq3A_760, %lt3A_761 : vector<16xi1>
        %or3A_763 = arith.ori %gt3A_759, %and3A_762 : vector<16xi1>
        %select_n3A_764 = arith.select %or3A_763, %scan3A_655#12, %select_n3A_749 : vector<16xi1>, vector<16xf32>
        %select_n3A_765 = arith.select %or3A_763, %add3A_758, %select_n3A_750 : vector<16xi1>, vector<16xi32>
        %mul3A_766 = arith.constant 128 : i32
        %mul3A_767 = vector.broadcast %mul3A_766 : i32 to vector<16xi32>
        %mul3A_768 = arith.muli %scan3A_655#15, %mul3A_767 : vector<16xi32>
        %add3A_769 = arith.constant 112 : i32
        %add3A_770 = arith.addi %add3A_618, %add3A_769 : i32
        %add3A_771 = vector.broadcast %add3A_770 : i32 to vector<16xi32>
        %add3A_772 = arith.addi %mul3A_768, %add3A_771 : vector<16xi32>
        %add3A_773 = arith.addi %add3A_772, %iota3A : vector<16xi32>
        %gt3A_774 = arith.cmpf ogt, %scan3A_655#14, %select_n3A_764 : vector<16xf32>
        %eq3A_775 = arith.cmpf oeq, %scan3A_655#14, %select_n3A_764 : vector<16xf32>
        %lt3A_776 = arith.cmpi slt, %add3A_773, %select_n3A_765 : vector<16xi32>
        %and3A_777 = arith.andi %eq3A_775, %lt3A_776 : vector<16xi1>
        %or3A_778 = arith.ori %gt3A_774, %and3A_777 : vector<16xi1>
        %select_n3A_779 = arith.select %or3A_778, %scan3A_655#14, %select_n3A_764 : vector<16xi1>, vector<16xf32>
        %select_n3A_780 = arith.select %or3A_778, %add3A_773, %select_n3A_765 : vector<16xi1>, vector<16xi32>
        %gt3A_781 = arith.cmpf ogt, %select_n3A_779, %select_n3A_578 : vector<16xf32>
        %eq3A_782 = arith.cmpf oeq, %select_n3A_779, %select_n3A_578 : vector<16xf32>
        %lt3A_783 = arith.cmpi slt, %select_n3A_780, %select_n3A_579 : vector<16xi32>
        %and3A_784 = arith.andi %eq3A_782, %lt3A_783 : vector<16xi1>
        %or3A_785 = arith.ori %gt3A_781, %and3A_784 : vector<16xi1>
        %select_n3A_786 = arith.select %or3A_785, %select_n3A_779, %select_n3A_578 : vector<16xi1>, vector<16xf32>
        %select_n3A_787 = arith.select %or3A_785, %select_n3A_780, %select_n3A_579 : vector<16xi1>, vector<16xi32>
        scf.yield %select_n3A_786, %select_n3A_787 : vector<16xf32>, vector<16xi32>
      }
      %scan3A_40 = arith.constant 2 : i32
      %xor3A = arith.constant 8 : i32
      %xor3A_41 = vector.broadcast %xor3A : i32 to vector<16xi32>
      %xor3A_42 = arith.xori %iota3A, %xor3A_41 : vector<16xi32>
      %lt3A = arith.constant 0 : i32
      %lt3A_43 = vector.broadcast %lt3A : i32 to vector<16xi32>
      %lt3A_44 = arith.cmpi slt, %xor3A_42, %lt3A_43 : vector<16xi32>
      %add3A_45 = arith.constant 16 : i32
      %add3A_46 = vector.broadcast %add3A_45 : i32 to vector<16xi32>
      %add3A_47 = arith.addi %xor3A_42, %add3A_46 : vector<16xi32>
      %select_n3A = arith.select %lt3A_44, %add3A_47, %xor3A_42 : vector<16xi1>, vector<16xi32>
      %broadcast_in_dim3A_48 = vector.shape_cast %select_n3A : vector<16xi32> to vector<16x1xi32>
      %gather3A = vector.shape_cast %broadcast_in_dim3A_48 : vector<16x1xi32> to vector<16xi32>
      %gather3A_49 = tpu.dynamic_gather %scan3A_39#0[%gather3A] in [0] : vector<16xf32>, vector<16xi32> -> vector<16xf32>
      %lt3A_50 = arith.constant 0 : i32
      %lt3A_51 = vector.broadcast %lt3A_50 : i32 to vector<16xi32>
      %lt3A_52 = arith.cmpi slt, %xor3A_42, %lt3A_51 : vector<16xi32>
      %add3A_53 = arith.constant 16 : i32
      %add3A_54 = vector.broadcast %add3A_53 : i32 to vector<16xi32>
      %add3A_55 = arith.addi %xor3A_42, %add3A_54 : vector<16xi32>
      %select_n3A_56 = arith.select %lt3A_52, %add3A_55, %xor3A_42 : vector<16xi1>, vector<16xi32>
      %broadcast_in_dim3A_57 = vector.shape_cast %select_n3A_56 : vector<16xi32> to vector<16x1xi32>
      %gather3A_58 = vector.shape_cast %broadcast_in_dim3A_57 : vector<16x1xi32> to vector<16xi32>
      %gather3A_59 = tpu.dynamic_gather %scan3A_39#1[%gather3A_58] in [0] : vector<16xi32>, vector<16xi32> -> vector<16xi32>
      %gt3A = arith.cmpf ogt, %gather3A_49, %scan3A_39#0 : vector<16xf32>
      %eq3A = arith.cmpf oeq, %gather3A_49, %scan3A_39#0 : vector<16xf32>
      %lt3A_60 = arith.cmpi slt, %gather3A_59, %scan3A_39#1 : vector<16xi32>
      %and3A = arith.andi %eq3A, %lt3A_60 : vector<16xi1>
      %or3A = arith.ori %gt3A, %and3A : vector<16xi1>
      %select_n3A_61 = arith.select %or3A, %gather3A_49, %scan3A_39#0 : vector<16xi1>, vector<16xf32>
      %select_n3A_62 = arith.select %or3A, %gather3A_59, %scan3A_39#1 : vector<16xi1>, vector<16xi32>
      %xor3A_63 = arith.constant 4 : i32
      %xor3A_64 = vector.broadcast %xor3A_63 : i32 to vector<16xi32>
      %xor3A_65 = arith.xori %iota3A, %xor3A_64 : vector<16xi32>
      %lt3A_66 = arith.constant 0 : i32
      %lt3A_67 = vector.broadcast %lt3A_66 : i32 to vector<16xi32>
      %lt3A_68 = arith.cmpi slt, %xor3A_65, %lt3A_67 : vector<16xi32>
      %add3A_69 = arith.constant 16 : i32
      %add3A_70 = vector.broadcast %add3A_69 : i32 to vector<16xi32>
      %add3A_71 = arith.addi %xor3A_65, %add3A_70 : vector<16xi32>
      %select_n3A_72 = arith.select %lt3A_68, %add3A_71, %xor3A_65 : vector<16xi1>, vector<16xi32>
      %broadcast_in_dim3A_73 = vector.shape_cast %select_n3A_72 : vector<16xi32> to vector<16x1xi32>
      %gather3A_74 = vector.shape_cast %broadcast_in_dim3A_73 : vector<16x1xi32> to vector<16xi32>
      %gather3A_75 = tpu.dynamic_gather %select_n3A_61[%gather3A_74] in [0] : vector<16xf32>, vector<16xi32> -> vector<16xf32>
      %lt3A_76 = arith.constant 0 : i32
      %lt3A_77 = vector.broadcast %lt3A_76 : i32 to vector<16xi32>
      %lt3A_78 = arith.cmpi slt, %xor3A_65, %lt3A_77 : vector<16xi32>
      %add3A_79 = arith.constant 16 : i32
      %add3A_80 = vector.broadcast %add3A_79 : i32 to vector<16xi32>
      %add3A_81 = arith.addi %xor3A_65, %add3A_80 : vector<16xi32>
      %select_n3A_82 = arith.select %lt3A_78, %add3A_81, %xor3A_65 : vector<16xi1>, vector<16xi32>
      %broadcast_in_dim3A_83 = vector.shape_cast %select_n3A_82 : vector<16xi32> to vector<16x1xi32>
      %gather3A_84 = vector.shape_cast %broadcast_in_dim3A_83 : vector<16x1xi32> to vector<16xi32>
      %gather3A_85 = tpu.dynamic_gather %select_n3A_62[%gather3A_84] in [0] : vector<16xi32>, vector<16xi32> -> vector<16xi32>
      %gt3A_86 = arith.cmpf ogt, %gather3A_75, %select_n3A_61 : vector<16xf32>
      %eq3A_87 = arith.cmpf oeq, %gather3A_75, %select_n3A_61 : vector<16xf32>
      %lt3A_88 = arith.cmpi slt, %gather3A_85, %select_n3A_62 : vector<16xi32>
      %and3A_89 = arith.andi %eq3A_87, %lt3A_88 : vector<16xi1>
      %or3A_90 = arith.ori %gt3A_86, %and3A_89 : vector<16xi1>
      %select_n3A_91 = arith.select %or3A_90, %gather3A_75, %select_n3A_61 : vector<16xi1>, vector<16xf32>
      %select_n3A_92 = arith.select %or3A_90, %gather3A_85, %select_n3A_62 : vector<16xi1>, vector<16xi32>
      %xor3A_93 = arith.constant 2 : i32
      %xor3A_94 = vector.broadcast %xor3A_93 : i32 to vector<16xi32>
      %xor3A_95 = arith.xori %iota3A, %xor3A_94 : vector<16xi32>
      %lt3A_96 = arith.constant 0 : i32
      %lt3A_97 = vector.broadcast %lt3A_96 : i32 to vector<16xi32>
      %lt3A_98 = arith.cmpi slt, %xor3A_95, %lt3A_97 : vector<16xi32>
      %add3A_99 = arith.constant 16 : i32
      %add3A_100 = vector.broadcast %add3A_99 : i32 to vector<16xi32>
      %add3A_101 = arith.addi %xor3A_95, %add3A_100 : vector<16xi32>
      %select_n3A_102 = arith.select %lt3A_98, %add3A_101, %xor3A_95 : vector<16xi1>, vector<16xi32>
      %broadcast_in_dim3A_103 = vector.shape_cast %select_n3A_102 : vector<16xi32> to vector<16x1xi32>
      %gather3A_104 = vector.shape_cast %broadcast_in_dim3A_103 : vector<16x1xi32> to vector<16xi32>
      %gather3A_105 = tpu.dynamic_gather %select_n3A_91[%gather3A_104] in [0] : vector<16xf32>, vector<16xi32> -> vector<16xf32>
      %lt3A_106 = arith.constant 0 : i32
      %lt3A_107 = vector.broadcast %lt3A_106 : i32 to vector<16xi32>
      %lt3A_108 = arith.cmpi slt, %xor3A_95, %lt3A_107 : vector<16xi32>
      %add3A_109 = arith.constant 16 : i32
      %add3A_110 = vector.broadcast %add3A_109 : i32 to vector<16xi32>
      %add3A_111 = arith.addi %xor3A_95, %add3A_110 : vector<16xi32>
      %select_n3A_112 = arith.select %lt3A_108, %add3A_111, %xor3A_95 : vector<16xi1>, vector<16xi32>
      %broadcast_in_dim3A_113 = vector.shape_cast %select_n3A_112 : vector<16xi32> to vector<16x1xi32>
      %gather3A_114 = vector.shape_cast %broadcast_in_dim3A_113 : vector<16x1xi32> to vector<16xi32>
      %gather3A_115 = tpu.dynamic_gather %select_n3A_92[%gather3A_114] in [0] : vector<16xi32>, vector<16xi32> -> vector<16xi32>
      %gt3A_116 = arith.cmpf ogt, %gather3A_105, %select_n3A_91 : vector<16xf32>
      %eq3A_117 = arith.cmpf oeq, %gather3A_105, %select_n3A_91 : vector<16xf32>
      %lt3A_118 = arith.cmpi slt, %gather3A_115, %select_n3A_92 : vector<16xi32>
      %and3A_119 = arith.andi %eq3A_117, %lt3A_118 : vector<16xi1>
      %or3A_120 = arith.ori %gt3A_116, %and3A_119 : vector<16xi1>
      %select_n3A_121 = arith.select %or3A_120, %gather3A_105, %select_n3A_91 : vector<16xi1>, vector<16xf32>
      %select_n3A_122 = arith.select %or3A_120, %gather3A_115, %select_n3A_92 : vector<16xi1>, vector<16xi32>
      %xor3A_123 = arith.constant 1 : i32
      %xor3A_124 = vector.broadcast %xor3A_123 : i32 to vector<16xi32>
      %xor3A_125 = arith.xori %iota3A, %xor3A_124 : vector<16xi32>
      %lt3A_126 = arith.constant 0 : i32
      %lt3A_127 = vector.broadcast %lt3A_126 : i32 to vector<16xi32>
      %lt3A_128 = arith.cmpi slt, %xor3A_125, %lt3A_127 : vector<16xi32>
      %add3A_129 = arith.constant 16 : i32
      %add3A_130 = vector.broadcast %add3A_129 : i32 to vector<16xi32>
      %add3A_131 = arith.addi %xor3A_125, %add3A_130 : vector<16xi32>
      %select_n3A_132 = arith.select %lt3A_128, %add3A_131, %xor3A_125 : vector<16xi1>, vector<16xi32>
      %broadcast_in_dim3A_133 = vector.shape_cast %select_n3A_132 : vector<16xi32> to vector<16x1xi32>
      %gather3A_134 = vector.shape_cast %broadcast_in_dim3A_133 : vector<16x1xi32> to vector<16xi32>
      %gather3A_135 = tpu.dynamic_gather %select_n3A_121[%gather3A_134] in [0] : vector<16xf32>, vector<16xi32> -> vector<16xf32>
      %lt3A_136 = arith.constant 0 : i32
      %lt3A_137 = vector.broadcast %lt3A_136 : i32 to vector<16xi32>
      %lt3A_138 = arith.cmpi slt, %xor3A_125, %lt3A_137 : vector<16xi32>
      %add3A_139 = arith.constant 16 : i32
      %add3A_140 = vector.broadcast %add3A_139 : i32 to vector<16xi32>
      %add3A_141 = arith.addi %xor3A_125, %add3A_140 : vector<16xi32>
      %select_n3A_142 = arith.select %lt3A_138, %add3A_141, %xor3A_125 : vector<16xi1>, vector<16xi32>
      %broadcast_in_dim3A_143 = vector.shape_cast %select_n3A_142 : vector<16xi32> to vector<16x1xi32>
      %gather3A_144 = vector.shape_cast %broadcast_in_dim3A_143 : vector<16x1xi32> to vector<16xi32>
      %gather3A_145 = tpu.dynamic_gather %select_n3A_122[%gather3A_144] in [0] : vector<16xi32>, vector<16xi32> -> vector<16xi32>
      %gt3A_146 = arith.cmpf ogt, %gather3A_135, %select_n3A_121 : vector<16xf32>
      %eq3A_147 = arith.cmpf oeq, %gather3A_135, %select_n3A_121 : vector<16xf32>
      %lt3A_148 = arith.cmpi slt, %gather3A_145, %select_n3A_122 : vector<16xi32>
      %and3A_149 = arith.andi %eq3A_147, %lt3A_148 : vector<16xi1>
      %or3A_150 = arith.ori %gt3A_146, %and3A_149 : vector<16xi1>
      %select_n3A_151 = arith.select %or3A_150, %gather3A_135, %select_n3A_121 : vector<16xi1>, vector<16xf32>
      %select_n3A_152 = arith.select %or3A_150, %gather3A_145, %select_n3A_122 : vector<16xi1>, vector<16xi32>
      %eq3A_153 = vector.broadcast %scan3A_29 : i32 to vector<16xi32>
      %eq3A_154 = arith.cmpi eq, %iota3A, %eq3A_153 : vector<16xi32>
      %select_n3A_155 = arith.select %eq3A_154, %select_n3A_152, %scan3A_30 : vector<16xi1>, vector<16xi32>
      scf.yield %select_n3A_155 : vector<16xi32>
    }
    %scan3A_22 = arith.constant 4 : i32
    %swap3A = arith.constant 0 : index
    %swap3A_23 = tpu.vector_load %arg7[%swap3A] {strides = array<i32>} : memref<16xi32, #tpu.memory_space<vmem>>, vector<16xi32>,
    %swap3A_24 = vector.shape_cast %swap3A_23 : vector<16xi32> to vector<16xi32>
    %swap3A_25 = vector.shape_cast %scan3A_21 : vector<16xi32> to vector<16xi32>
    tpu.vector_store %arg7[%swap3A], %swap3A_25 {strides = array<i32>} : memref<16xi32, #tpu.memory_space<vmem>>, vector<16xi32>,
    %mul3A_26 = arith.constant 8 : i32
    %mul3A_27 = arith.muli %add3A, %mul3A_26 : i32
    %multiple_of3A_28 = tpu.assume_multiple %mul3A_27, 8 : i32
    "tpu.region"() ({
      %run_scoped3A = tpu.sem_alloc : memref<!tpu.dma_semaphore, #tpu.memory_space<semaphore_mem>>
      %dma_start3A_29 = arith.constant 0 : i32
      %dma_start3A_30 = tpu.memref_slice %arg7[%dma_start3A_29] : memref<16xi32, #tpu.memory_space<vmem>> -> memref<8xi32, #tpu.memory_space<vmem>>
      %dma_start3A_31 = tpu.memref_slice %arg3[%multiple_of3A_28] : memref<256xi32, #tpu.memory_space<hbm>> -> memref<8xi32, #tpu.memory_space<hbm>>
      %dma_start3A_32 = tpu.memref_slice %arg3[%multiple_of3A_28] : memref<256xi32, #tpu.memory_space<hbm>> -> memref<8xi32, #tpu.memory_space<hbm>>
      %dma_start3A_33 = arith.constant 0 : i32
      %dma_start3A_34 = tpu.memref_slice %arg7[%dma_start3A_33] : memref<16xi32, #tpu.memory_space<vmem>> -> memref<8xi32, #tpu.memory_space<vmem>>
      tpu.enqueue_dma source(%dma_start3A_34 : memref<8xi32, #tpu.memory_space<vmem>>) target(%dma_start3A_32 : memref<8xi32, #tpu.memory_space<hbm>>) target_semaphore(%run_scoped3A : memref<!tpu.dma_semaphore, #tpu.memory_space<semaphore_mem>>)
      %dma_wait3A = arith.constant 0 : i32
      %dma_wait3A_35 = tpu.memref_slice %arg7[%dma_wait3A] : memref<16xi32, #tpu.memory_space<vmem>> -> memref<8xi32, #tpu.memory_space<vmem>>
      %dma_wait3A_36 = tpu.memref_slice %arg3[%multiple_of3A_28] : memref<256xi32, #tpu.memory_space<hbm>> -> memref<8xi32, #tpu.memory_space<hbm>>
      %dma_wait3A_37 = tpu.memref_slice %arg3[%multiple_of3A_28] : memref<256xi32, #tpu.memory_space<hbm>> -> memref<8xi32, #tpu.memory_space<hbm>>
      %dma_wait3A_38 = arith.constant 0 : i32
      %dma_wait3A_39 = tpu.memref_slice %arg7[%dma_wait3A_38] : memref<16xi32, #tpu.memory_space<vmem>> -> memref<8xi32, #tpu.memory_space<vmem>>
      tpu.wait_dma2 semaphore(%run_scoped3A : memref<!tpu.dma_semaphore, #tpu.memory_space<semaphore_mem>>) src(%dma_wait3A_39 : memref<8xi32, #tpu.memory_space<vmem>>) dst(%dma_wait3A_37 : memref<8xi32, #tpu.memory_space<hbm>>)
      tpu.yield
    }) : () -> ()
    return
  }
}

module attributes {stable_mosaic.version = 14 : i64} {
  func.func @_tc_body(%arg0: i32, %arg1: memref<16x128256xf32, #tpu.memory_space<vmem>>, %arg2: memref<16x1xi32, #tpu.memory_space<vmem>>) attributes {dimension_semantics = [#tpu.dimension_semantics<arbitrary>], iteration_bounds = array<i64: 8>, scalar_prefetch = 0 : i64, scratch_operands = 0 : i64, tpu.core_type = #tpu.core_type<tc>, window_params = [{transform_indices = @transform_0, window_bounds = array<i64: 16, 128256>}, {transform_indices = @transform_1, window_bounds = array<i64: 16, 1>}]} {
    %get3A = arith.constant 0 : index
    %get3A_0 = arith.constant 0 : index
    %get3A_1 = vector.load %arg1[%get3A, %get3A_0] : memref<16x128256xf32, #tpu.memory_space<vmem>>, vector<16x128256xf32>
    %reduce_max3A = arith.constant dense<0xFF800000> : vector<16xf32>
    %reduce_max3A_2 = vector.multi_reduction <maximumf>, %get3A_1, %reduce_max3A [1] : vector<16x128256xf32> to vector<16xf32>
    %broadcast_in_dim3A = vector.shape_cast %reduce_max3A_2 : vector<16xf32> to vector<16x1xf32>
    %iota3A = tpu.iota {dimensions = array<i32: 1>} : vector<16x128256xi32>
    %eq3A = vector.broadcast %broadcast_in_dim3A : vector<16x1xf32> to vector<16x128256xf32>
    %eq3A_3 = arith.cmpf oeq, %get3A_1, %eq3A : vector<16x128256xf32>
    %jit3A = arith.constant 2147483647 : i32
    %broadcast_in_dim3A_4 = vector.broadcast %jit3A : i32 to vector<16x128256xi32>
    %select_n3A = arith.select %eq3A_3, %iota3A, %broadcast_in_dim3A_4 : vector<16x128256xi1>, vector<16x128256xi32>
    %reduce_min3A = arith.constant dense<2147483647> : vector<16xi32>
    %reduce_min3A_5 = vector.multi_reduction <minsi>, %select_n3A, %reduce_min3A [1] : vector<16x128256xi32> to vector<16xi32>
    %broadcast_in_dim3A_6 = vector.shape_cast %reduce_min3A_5 : vector<16xi32> to vector<16x1xi32>
    %swap3A = arith.constant 0 : index
    %swap3A_7 = arith.constant 0 : index
    %swap3A_8 = vector.load %arg2[%swap3A, %swap3A_7] : memref<16x1xi32, #tpu.memory_space<vmem>>, vector<16x1xi32>
    tpu.vector_store %arg2[%swap3A, %swap3A_7], %broadcast_in_dim3A_6 {strides = array<i32>} : memref<16x1xi32, #tpu.memory_space<vmem>>, vector<16x1xi32>,
    return
  }
  func.func @transform_0(%arg0: i32) -> (i32, i32) {
    %add3A = arith.constant 8 : i32
    %add3A_0 = arith.addi %arg0, %add3A : i32
    %c0_i32 = arith.constant 0 : i32
    %c0_i32_1 = arith.constant 0 : i32
    return %add3A_0, %c0_i32 : i32, i32
  }
  func.func @transform_1(%arg0: i32) -> (i32, i32) {
    %c0_i32 = arith.constant 0 : i32
    %c0_i32_0 = arith.constant 0 : i32
    return %arg0, %c0_i32 : i32, i32
  }
}

</mosaic_0001>

<sc_bundles>
// kernel: kernel.4.cloned.1.call-start
scs
__scs_entry_jumppad:
0x0: {  	(pc) =	sbr.rel $0x88, $3  }
0x1: {  	(tag) =	ssettag $0x0;
	lr =	simm.s32 $0x1  }
0x2: {  	[smem:$0x3FA0] =	sst lr;
	_ =	strace $0xD0000000  }
0x3: {  	_ = 	snop  }
0x4: {  	_ = 	snop  }
0x5: {  	_ = 	snop  }
0x6: {  	_ = 	snop  }
0x7: {  	_ = 	snop  }
__scs_overlays_trampoline_lowered:
0x8: {  	[smem:$0x3FAF] =	sst s0  }
0x9: {  	[smem:$0x3FB0] =	sst s1  }
0xa: {  	[smem:$0x3FB1] =	sst s2  }
0xb: {  	[smem:$0x3FB2] =	sst s3  }
0xc: {  	[smem:$0x3FB3] =	sst s4  }
0xd: {  	[smem:$0x3FB4] =	sst s5  }
0xe: {  	[smem:$0x3FB5] =	sst s6  }
0xf: {  	[smem:$0x3FB6] =	sst s7  }
0x10: {  	[smem:$0x3FB7] =	sst s8  }
0x11: {  	[smem:$0x3FB8] =	sst s9;
	s0 =	simm.s32 @!p0 $0x0  }
0x12: {  	s1 =	sld [smem:$0x3F9E];
	s0 =	simm.s32 @p0 $0x1  }
0x13: {  	[smem:$0x3FB9] =	sst s0;
	s0 =	simm.s32 @!p1 $0x0  }
0x14: {  	s2 =	sld [smem:$0x3F9D];
	s0 =	simm.s32 @p1 $0x1  }
0x15: {  	[smem:$0x3FBA] =	sst s0;
	s0 =	simm.s32 @!p2 $0x0  }
0x16: {  	s3 =	sld [smem:$0x3FDB];
	s0 =	simm.s32 @p2 $0x1  }
0x17: {  	s4 =	simm.s32 $0x1BF5;
	[smem:$0x3FBC] =	sst s0  }
0x18: {  	s0 =	sld [smem:$0x3F9F];
	_ =	swait.ge [sflag:s4], $0x0  }
0x19: {  	s7 =	sld [smem:$0x3FA0]  }
0x1a: {  	s8 =	sadd.s32 $0xFFFFE003, lr  }
0x1b: {  	s9 =	sadd.s32 $0xFFFFFEF7, lr;
	s5 =	simm.s32 $0xFFFFFFFF;
	p2 =	slt.u32 s8, $0xFFFFF086  }
0x1c: {  	p1 =	slt.u32 s9, $0xF7A;
	s5 =	simm.s32 @!p2 $0x0  }
0x1d: {  	s5 =	simm.s32 @p1 $0x1;
	p0 =	seq.s32 s7, s2  }
0x1e: {  	s7 =	smul.u32 @!p0 $0xF7A, s2;
	p2 =	seq.s32 @!p0 s5, $0x0  }
0x1f: {  	s9 =	smul.u32 $0xF7A, s1;
	s8 =	simm.s32 @!p0 $0x1BF5;
	p2 =	por !p2, p0  }
0x20: {  	[sflag:s8] =	ssyncset.s32 @!p0 $0xFFFFF086;
	s6 =	sadd.s32 @!p0 s3, s7;
	s7 =	simm.s32 @!p0 $0x108  }
0x21: {  	s3 =	sadd.s32 s3, s9;
	s6 =	sadd.s32 @!p0 $0x88, s6;
	s7 =	simm.s32 @p2 $0x1082  }
0x22: {  	[simem:s7], [sflag:s8] =	dma.local @!p0 [hbm:s6], $0xF7A  }
0x23: {  	s9 =	sor.u32 $0xD0000000, s2;
	s6 =	simm.s32 $0x108;
	_ =	swait.ge @!p0 [sflag:s8], $0x0  }
0x24: {  	s3 =	sadd.s32 $0x88, s3;
	s6 =	simm.s32 @!p1 $0x1082;
	[sflag:s4] =	ssyncset.s32 $0xFFFFF086  }
0x25: {  	[simem:s6], [sflag:s4] =	dma.local [hbm:s3], $0xF7A  }
0x26: {  	[smem:$0x3FA0] =	sst s1;
	(tag) =	ssettag s2;
	_ =	strace s9  }
0x27: {  	s1 =	sld [smem:$0x3FB0]  }
0x28: {  	s2 =	sld [smem:$0x3FB1]  }
0x29: {  	s4 =	sld [smem:$0x3FB3]  }
0x2a: {  	p0 =	seq.s32 s5, $0x0;
	s5 =	sld [smem:$0x3FB4]  }
0x2b: {  	s6 =	sld [smem:$0x3FB5]  }
0x2c: {  	s7 =	sld [smem:$0x3FB6]  }
0x2d: {  	s3 =	simm.s32 $0x108;
	s8 =	sld [smem:$0x3FB7]  }
0x2e: {  	s3 =	simm.s32 @!p0 $0x1082;
	s9 =	sld [smem:$0x3FB8]  }
0x2f: {  	lr =	sadd.s32 s0, s3;
	s0 =	sld [smem:$0x3FAF]  }
0x30: {  	s3 =	sld [smem:$0x3FB2]  }
0x31: {  	[smem:$0x3FBB] =	sst s10  }
0x32: {  	s10 =	sld [smem:$0x3FB9];
	_ =	sdelay $0x3  }
0x33: {  	p0 =	seq.s32 s10, $0x1;
	s10 =	sld [smem:$0x3FBB];
	_ =	sdelay $0x3  }
0x34: {  	[smem:$0x3FBB] =	sst s10  }
0x35: {  	s10 =	sld [smem:$0x3FBA];
	_ =	sdelay $0x3  }
0x36: {  	p1 =	seq.s32 s10, $0x1;
	s10 =	sld [smem:$0x3FBB];
	_ =	sdelay $0x3  }
0x37: {  	[smem:$0x3FBB] =	sst s10  }
0x38: {  	s10 =	sld [smem:$0x3FBC]  }
0x39: {  	_ = 	snop;
	(pc) =	sbr.ind lr, $3  }
0x3a: {  	_ = 	snop  }
0x3b: {  	_ = 	snop  }
0x3c: {  	p2 =	seq.s32 s10, $0x1;
	s10 =	sld [smem:$0x3FBB]  }
0x3d: {  	_ =	shalt  }
0x3e: {  	_ =	shalt  }
0x3f: {  	_ =	shalt  }
0x40: {  	_ =	shalt  }
0x41: {  	_ =	shalt  }
0x42: {  	_ =	shalt  }
0x43: {  	_ =	shalt  }
0x44: {  	_ =	shalt  }
0x45: {  	_ =	shalt  }
0x46: {  	_ =	shalt  }
0x47: {  	_ =	shalt  }
0x48: {  	_ =	shalt  }
0x49: {  	_ =	shalt  }
0x4a: {  	_ =	shalt  }
0x4b: {  	_ =	shalt  }
0x4c: {  	_ =	shalt  }
0x4d: {  	_ =	shalt  }
0x4e: {  	_ =	shalt  }
0x4f: {  	_ =	shalt  }
0x50: {  	_ =	shalt  }
0x51: {  	_ =	shalt  }
0x52: {  	_ =	shalt  }
0x53: {  	_ =	shalt  }
0x54: {  	_ =	shalt  }
0x55: {  	_ =	shalt  }
0x56: {  	_ =	shalt  }
0x57: {  	_ =	shalt  }
0x58: {  	_ =	shalt  }
0x59: {  	_ =	shalt  }
0x5a: {  	_ =	shalt  }
0x5b: {  	_ =	shalt  }
0x5c: {  	_ =	shalt  }
0x5d: {  	_ =	shalt  }
0x5e: {  	_ =	shalt  }
0x5f: {  	_ =	shalt  }
0x60: {  	_ =	shalt  }
0x61: {  	_ =	shalt  }
0x62: {  	_ =	shalt  }
0x63: {  	_ =	shalt  }
0x64: {  	_ =	shalt  }
0x65: {  	_ =	shalt  }
0x66: {  	_ =	shalt  }
0x67: {  	_ =	shalt  }
0x68: {  	_ =	shalt  }
0x69: {  	_ =	shalt  }
0x6a: {  	_ =	shalt  }
0x6b: {  	_ =	shalt  }
0x6c: {  	_ =	shalt  }
0x6d: {  	_ =	shalt  }
0x6e: {  	_ =	shalt  }
0x6f: {  	_ =	shalt  }
0x70: {  	_ =	shalt  }
0x71: {  	_ =	shalt  }
0x72: {  	_ =	shalt  }
0x73: {  	_ =	shalt  }
0x74: {  	_ =	shalt  }
0x75: {  	_ =	shalt  }
0x76: {  	_ =	shalt  }
0x77: {  	_ =	shalt  }
0x78: {  	_ =	shalt  }
0x79: {  	_ =	shalt  }
0x7a: {  	_ =	shalt  }
0x7b: {  	_ =	shalt  }
0x7c: {  	_ =	shalt  }
0x7d: {  	_ =	shalt  }
0x7e: {  	_ =	shalt  }
0x7f: {  	_ =	shalt  }
0x80: {  	_ =	shalt  }
0x81: {  	_ =	shalt  }
0x82: {  	_ =	shalt  }
0x83: {  	_ =	shalt  }
0x84: {  	_ =	shalt  }
0x85: {  	_ =	shalt  }
0x86: {  	_ =	shalt  }
0x87: {  	_ =	shalt  }
.Lfunc_end0:
.L_simem_size_0:
called_computation_lowered:
.L_overlay_start_0:
0x88: {  	s2 =	sld [smem:$0x3FD9]  }
0x89: {  	s3 =	sld [smem:$0x3FFE];
	_ =	sdelay $0x1  }
0x8a: {  	s1 =	srdreg.scid  }
0x8b: {  	s0 =	sand.u32 $0x1, s1  }
0x8c: {  	s18 =	sshll.u32 s0, $0xA;
	s2 =	sadd.s32 s3, s2  }
0x8d: {  	s2 =	sadd.s32 s2, s18  }
0x8e: {  	[smem:$0x3FC7] =	sst s2  }
0x8f: {  	_ = 	snop  }
0x90: {  	s2 =	sld [smem:$0x3FC9]  }
0x91: {  	s19 =	sld [smem:$0x3FD0];
	(tm) =	ssettm $0x1  }
0x92: {  	s4 =	sld [smem:$0x3FFB];
	_ =	sdelay $0x3  }
0x93: {  	_ =	strace s4  }
0x94: {  	s4 =	sld [smem:$0x3FFC];
	_ =	sdelay $0x3  }
0x95: {  	_ =	strace s4  }
0x96: {  	s4 =	sld [smem:$0x3FFD];
	_ =	sdelay $0x3  }
0x97: {  	_ =	strace s4  }
0x98: {  	_ =	strace $0x8FFFFFFF  }
0x99: {  	s20 =	sld [smem:$0x3FDB];
	_ =	sdelay $0x1  }
0x9a: {  	s5 =	simm.s32 $_scs_section_size  }
0x9b: {  	s6 =	simm.s32 $_size__tile_overlayer_lowered;
	s7 =	simm.s32 $_tile_overlayer_lowered  }
0x9c: {  	s23 =	simm.s32 $0x1BFF;
	s22 =	sshll.u32 s7, $0x1;
	s4 =	sadd.s32 s5, s20  }
0x9d: {  	s8 =	simm.s32 $0x0;
	s21 =	sshll.u32 s6, $0x1;
	s6 =	sadd.s32 s22, s4  }
0x9e: {  	[timem:s8], [sflag:s23] =	dma.local [hbm:s6], s21  }
0x9f: {  	_ =	swait.ge [sflag:s23], s21  }
0xa0: {  	s5 =	ssub.s32 $0x0, s21;
	[sflag:s23] =	ssyncset.done $0x0  }
0xa1: {  	[sflag:s23] =	ssyncadd.s32 s5;
	_ =	sdelay $0x1  }
0xa2: {  	s24 =	simm.s32 $0x1B8B  }
0xa3: {  	_ =	swait.ge [sflag:s24], $0x1  }
0xa4: {  	[sflag:s24] =	ssyncset.done $0x0  }
0xa5: {  	s25 =	simm.s32 $0x1B8E;
	[sflag:s24] =	ssyncadd.s32 $0xFFFFFFFF  }
0xa6: {  	s26 =	simm.s32 $execute0_lowered;
	[smem:$0x3FD2] =	sst s25  }
0xa7: {  	s5 =	sshll.u32 s26, $0x1;
	_ =	strace $0x80000046;
	[dreg:$0x1] =	wrdreg $0xFFFFFFFF  }
0xa8: {  	s28 =	simm.s32 $_size_execute0_lowered;
	s4 =	sadd.s32 s4, s5;
	[dreg:$0x0] =	wrdreg $0x0  }
0xa9: {  	s5 =	sshll.u32 s28, $0x1;
	[dreg:$0x2] =	wrdreg s4  }
0xaa: {  	[dreg:$0x3] =	wrdreg s5  }
0xab: {  	[dreg:$0x4] =	wrdreg $0xC0  }
0xac: {  	_ =	task [dreg:s8], $0x5FFFF  }
0xad: {  	[dreg:$0x1] =	wrdreg $0xFFFFFFFF  }
0xae: {  	[dreg:$0x0] =	wrdreg $0x60  }
0xaf: {  	[dreg:$0x2] =	wrdreg s2  }
0xb0: {  	[dreg:$0x3] =	wrdreg s19  }
0xb1: {  	[dreg:$0x4] =	wrdreg $0x9  }
0xb2: {  	_ =	task.clear_ibuf [dreg:s8], $0x5FFFF;
	_ =	strace $0x90000046  }
0xb3: {  	s29 =	simm.s32 $0x9;
	_ =	strace $0x80000048  }
0xb4: {  	_ =	swait.ge [sflag:s29], $0x1  }
0xb5: {  	[sflag:s29] =	ssyncadd.s32 $0xFFFFFFFF  }
0xb6: {  	_ =	strace $0x90000048  }
0xb7: {  	_ =	sfence  }
0xb8: {  	s30 =	sld [smem:$0x0];
	_ =	sdelay $0x2  }
0xb9: {  	s31 =	sshll.u32 s1, $0xD;
	s1 =	sshrl.u32 s1, $0x2  }
0xba: {  	s3 =	sand.u32 $0x4000, s31;
	s1 =	sadd.s32 s1, s30  }
0xbb: {  	s0 =	sor.u32 s3, s0;
	s1 =	sshll.u32 s1, $0x11  }
0xbc: {  	s0 =	sor.u32 s1, s0  }
0xbd: {  	s0 =	sadd.s32 $0x8F2B, s0  }
0xbe: {  	[sflag:s0] =	ssyncadd.remote.s32 $0x1  }
0xbf: {  	_ =	sfence.sel $0xFFFF  }
0xc0: {  	[dreg:$0x0] =	wrdreg $0xFFFFFFFF;
	(pc) =	sbr.abs _section_cstart, $3  }
0xc1: {  	[dreg:$0x1] =	wrdreg $0xFFFFFFFF  }
0xc2: {  	_ =	task.clear_ibuf [dreg:s8], $0x2FFFF;
	_ =	strace $0x9FFFFFFF  }
0xc3: {  	(tm) =	ssettm $0x7FFFFFFF  }
tec
execute0_lowered:
.L_overlay_start_1:
0x0: {  	(tag) =	ssettag $0x1  }
0x1: {  	s0 =	rddreg [dreg:$0x0];
	v0 =	vimm.s32 $0xFEDCBA98  }
0x2: {  	s3 =	rddreg [dreg:$0x1];
	s2 =	simm.s32 $0x0;
	v1 =	vimm.s32 $0x76543210;
	v2 =	vimm.s32 $0xBA98FEDC;
	v3 =	vimm.s32 $0x32107654  }
0x3: {  	s1 =	stileid.u32;
	s4 =	srdreg.scid;
	v4 =	vimm.s32 $0xDCFE98BA;
	v5 =	vimm.s32 $0x54761032;
	s11 =	simm.s32 $0x400  }
0x4: {  	v6 =	vimm.s32 $0xEFCDAB89;
	v7 =	vimm.s32 $0x67452301;
	s12 =	simm.s32 $0x5380;
	s13 =	simm.s32 $0xA700;
	s14 =	simm.s32 $0x1  }
0x5: {  	s15 =	simm.s32 $0x2;
	s16 =	simm.s32 $0x3;
	s17 =	simm.s32 $0xFA80;
	v0 =	vunpack.c.l.s4.s8 v0;
	v1 =	vunpack.c.l.s4.s8 v1;
	v2 =	vunpack.c.l.s4.s8 v2  }
0x6: {  	s18 =	simm.s32 $0x4;
	s19 =	simm.s32 $0x0;
	s24 =	simm.s32 $0x0;
	v3 =	vunpack.c.l.s4.s8 v3;
	v4 =	vunpack.c.l.s4.s8 v4;
	v5 =	vunpack.c.l.s4.s8 v5  }
0x7: {  	[smem:$0x7FF] =	sst s2;
	s7 =	smul.u32 $0xFA800, s1;
	s4 =	sand.u32 $0x1, s4;
	v6 =	vunpack.c.l.s4.s8 v6;
	v7 =	vunpack.c.l.s4.s8 v7;
	v0 =	vunpack.c.0.s8.s32 v0  }
0x8: {  	s9 =	sshll.u32 s1, $0x1;
	_ =	strace $0x80000047;
	s5 =	ssub.s32 $0x2, s4;
	v2 =	vunpack.c.0.s8.s32 v2;
	v3 =	vunpack.c.0.s8.s32 v3;
	v4 =	vunpack.c.0.s8.s32 v4  }
0x9: {  	s6 =	sshll.u32 s4, $0x9;
	s29 =	sor.u32 s4, s9;
	s8 =	sshrl.u32 s5, $0x1;
	v5 =	vunpack.c.0.s8.s32 v5;
	v6 =	vunpack.c.0.s8.s32 v6;
	v7 =	vunpack.c.0.s8.s32 v7  }
0xa: {  	s6 =	sor.u32 s6, s7;
	s4 =	sshll.u32 s29, $0x2;
	s7 =	sadd.s32 $0x53800, s7;
	v1 =	vunpack.c.0.s8.s32 v1;
	v2 =	vcombine.low v3, v2  }
0xb: {  	s10 =	ssub.s32 s5, s8;
	s30 =	sadd.s32 $0x29C00, s6;
	s6 =	sshrl.u32 s6, $0x3;
	v3 =	vcombine.low v5, v4;
	v4 =	vand.u32 $0xF, v0;
	v5 =	vcombine.low v7, v6  }
0xc: {  	vm0 =	vmmov $0xffff;
	s8 =	sadd.s32 s3, s29;
	s31 =	sshrl.u32 s30, $0x3;
	s5 =	sadd.s32 s0, s6;
	v0 =	vlaneseq.u32;
	v1 =	vcombine.low v4, v1  }
0xd: {  	s9 =	smax.u32 s10, $0x1;
	s10 =	simm.s32 $0x80;
	s6 =	sadd.s32 s0, s31;
	v2 =	vand.u32 $0xF, v2;
	v3 =	vand.u32 $0xF, v3;
	v4 =	vand.u32 $0xF, v5  }
.LBB2_1:
0xe: {  	[tilespmem:s2], [sflag:$0x1] =	stream.strided.gather [hbm4b:s5+s10], $0x5380, s11, s10, $0x38;
	[tilespmem:$0xFB00] =	vst v63  }
0xf: {  	s20 =	simm.s32 $0x0  }
0x10: {  	v5 =	vimm.s32 $0x0;
	[tilespmem:s12], [sflag:$0x2] =	stream.strided.gather [hbm4b:s6+s10], $0x5380, s11, s10, $0x38;
	[tilespmem:$0xFB00] =	vst v63  }
.LBB2_2:
0x11: {  	s3 =	sadd.s32 s4, s20  }
0x12: {  	s3 =	sshll.u32 s3, $0x7  }
0x13: {  	s22 =	smul.u32 $0x6, s20;
	s21 =	sadd.s32 $0x1, s20;
	s3 =	sand.u32 $0x380, s3  }
0x14: {  	p1 =	por $0x1, $0x1;
	v6 =	vimm.f32 $-Inf;
	v7 =	vimm.s32 $0x7FFFFFFF;
	v8 =	vimm.f32 $-Inf;
	s26 =	simm.s32 $0x0;
	s23 =	sor.u32 s3, s7  }
.LBB2_3:
0x15: {  	s29 =	smul.u32 $0x7D400, s26;
	_ =	sdelay $0x1  }
0x16: {  	s3 =	sadd.s32 s29, s23  }
0x17: {  	s3 =	sshrl.u32 s3, $0x3  }
0x18: {  	s3 =	sadd.s32 s0, s3  }
0x19: {  	[tilespmem:s13], [sflag:$0x3] =	stream.strided.gather [hbm4b:s3+s10], $0x5380, s11, s10, $0x38;
	[tilespmem:$0xFB00] =	vst v63  }
0x1a: {  	_ =	swait.ge [sflag:s14], $0x5380  }
0x1b: {  	[sflag:s14] =	ssyncset.done $0x0  }
0x1c: {  	s25 =	simm.s32 $0x40;
	[sflag:s14] =	ssyncadd.s32 $0xFFFFAC80  }
0x1d: {  	v9 =	vld [tilespmem:s25+$0xFFFFFFC0]  }
0x1e: {  	v10 =	vld [tilespmem:s25+$0xFFFFFFD0]  }
0x1f: {  	v11 =	vld [tilespmem:s25+$0xFFFFFFE0]  }
0x20: {  	v12 =	vld [tilespmem:s25+$0xFFFFFFF0]  }
0x21: {  	v13 =	vld [tilespmem:s25+$0x0]  }
0x22: {  	v14 =	vld [tilespmem:s25+$0x10]  }
0x23: {  	v15 =	vld [tilespmem:s25+$0x20];
	_ =	sdelay $0x1  }
0x24: {  	s31 =	simm.s32 $0xC0;
	v16 =	vld [tilespmem:s25+$0x30]  }
0x25: {  	v19 =	vimm.s32 $0x0;
	v31 =	vld [tilespmem:s31+$0xFFFFFFC0];
	vm1 =	vgt.f32 v9, v6;
	vm2 =	vgt.f32 v10, v6  }
0x26: {  	v20 =	vld [tilespmem:s31+$0xFFFFFFD0];
	vm3 =	vgt.f32 v11, v6;
	vm4 =	vgt.f32 v12, v6;
	vm5 =	vgt.f32 v13, v6  }
0x27: {  	v32 =	vld [tilespmem:s31+$0xFFFFFFE0];
	vm6 =	vgt.f32 v14, v6;
	vm7 =	vgt.f32 v15, v6;
	v21 =	vsel vm1, v9, v6  }
0x28: {  	v25 =	vld [tilespmem:s31+$0xFFFFFFF0];
	v23 =	vsel vm1, s24, v19;
	v22 =	vsel vm2, v10, v6;
	v27 =	vsel vm3, v11, v6  }
0x29: {  	v29 =	vld [tilespmem:s31+$0x0];
	v28 =	vsel vm4, v12, v6;
	v26 =	vsel vm5, v13, v6;
	vm1 =	vgt.f32 v16, v6  }
0x2a: {  	v13 =	vld [tilespmem:s31+$0x10];
	v14 =	vsel vm6, v14, v6;
	v11 =	vsel vm7, v15, v6;
	v30 =	vsel vm2, s24, v19  }
0x2b: {  	s30 =	simm.s32 $0x1;
	p0 =	por p1, p1;
	v12 =	vld [tilespmem:s31+$0x20];
	v24 =	vsel vm3, s24, v19;
	v18 =	vsel vm4, s24, v19;
	v17 =	vsel vm5, s24, v19  }
0x2c: {  	s28 =	simm.s32 $0x2;
	s3 =	simm.s32 $0x0;
	s25 =	simm.s32 $0x140;
	v10 =	vld [tilespmem:s31+$0x30];
	v15 =	vsel vm7, s24, v19;
	v9 =	vsel vm1, v16, v6;
	v16 =	vsel vm6, s24, v19  }
.LBB2_4:
0x2d: {  	v33 =	vld [tilespmem:s25+$0xFFFFFFC0];
	p1 =	sne.s32 s28, $0xA6;
	vm2 =	vgt.f32 v31, v21;
	vm3 =	vgt.f32 v20, v22;
	v19 =	vsel vm1, s3, v19;
	s3 =	smov.u32 s30;
	s30 =	smov.u32 s28  }
0x2e: {  	v21 =	vsel vm2, v31, v21;
	v23 =	vsel vm2, s3, v23;
	v22 =	vsel vm3, v20, v22;
	v20 =	vld [tilespmem:s25+$0xFFFFFFD0]  }
0x2f: {  	vm4 =	vgt.f32 v25, v28;
	vm2 =	vgt.f32 v32, v27;
	vm5 =	vgt.f32 v29, v26;
	v34 =	vld [tilespmem:s25+$0xFFFFFFE0]  }
.Ltmp0:
0x30: {  	v28 =	vsel vm4, v25, v28;
	v27 =	vsel vm2, v32, v27;
	v26 =	vsel vm5, v29, v26;
	v25 =	vld [tilespmem:s25+$0xFFFFFFF0];
	(pc) =	sbr.rel @p1 .LBB2_4-.Ltmp0, $4  }
0x31: {  	vm6 =	vgt.f32 v13, v14;
	vm7 =	vgt.f32 v12, v11;
	v29 =	vld [tilespmem:s25+$0x0];
	vm1 =	vgt.f32 v10, v9  }
0x32: {  	v14 =	vsel vm6, v13, v14;
	v11 =	vsel vm7, v12, v11;
	v13 =	vld [tilespmem:s25+$0x10];
	v9 =	vsel vm1, v10, v9;
	v31 =	vmovc v33  }
0x33: {  	v30 =	vsel vm3, s3, v30;
	v18 =	vsel vm4, s3, v18;
	v24 =	vsel vm2, s3, v24;
	v12 =	vld [tilespmem:s25+$0x20]  }
0x34: {  	s28 =	sadd.s32 $0x1, s28;
	v17 =	vsel vm5, s3, v17;
	v16 =	vsel vm6, s3, v16;
	v15 =	vsel vm7, s3, v15;
	v10 =	vld [tilespmem:s25+$0x30];
	s25 =	sadd.s32 $0x80, s25;
	v32 =	vmovc v34  }
0x35: {  	vm2 =	vgt.f32 v31, v21;
	vm3 =	vgt.f32 v20, v22  }
0x36: {  	v19 =	vsel vm1, s3, v19;
	vm4 =	vgt.f32 v25, v28;
	v21 =	vsel vm2, v31, v21  }
0x37: {  	v23 =	vsel vm2, s30, v23;
	v20 =	vsel vm3, v20, v22;
	vm2 =	vgt.f32 v32, v27  }
0x38: {  	s25 =	smul.u32 $0xFA80, s26;
	vm1 =	vgt.f32 v29, v26;
	v25 =	vsel vm4, v25, v28;
	v18 =	vsel vm4, s30, v18  }
0x39: {  	v22 =	vsel vm2, v32, v27;
	v27 =	vsel vm3, s30, v30;
	v23 =	vshll.u32 v23, $0x7  }
0x3a: {  	vm3 =	veq.f32 v21, v21;
	s1 =	sor.u32 $0x10, s25;
	v23 =	vadd.s32 s25, v23;
	v27 =	vshll.u32 v27, $0x7  }
0x3b: {  	vm3 =	vmand vm3, vm0;
	v23 =	vor.u32 v0, v23;
	v27 =	vadd.s32 s1, v27  }
0x3c: {  	v21 =	vnsel vm3, $0xFF800000, v21;
	v23 =	vnsel vm3, $0x7FFFFFFF, v23;
	v27 =	vor.u32 v0, v27  }
0x3d: {  	v24 =	vsel vm2, s30, v24;
	vm2 =	veq.f32 v20, v21;
	vm3 =	vlt.s32 v27, v23  }
0x3e: {  	v24 =	vshll.u32 v24, $0x7;
	s1 =	sor.u32 $0x20, s25;
	vm5 =	vgt.f32 v20, v21;
	vm2 =	vmand vm2, vm3  }
0x3f: {  	v26 =	vsel vm1, v29, v26;
	v24 =	vadd.s32 s1, v24;
	vm2 =	vmor vm5, vm2  }
0x40: {  	v20 =	vsel vm2, v20, v21;
	v21 =	vsel vm2, v27, v23;
	v23 =	vor.u32 v0, v24  }
0x41: {  	v18 =	vshll.u32 v18, $0x7;
	vm2 =	veq.f32 v22, v20;
	vm12 =	vlt.s32 v23, v21  }
0x42: {  	s26 =	smul.u32 $0x3, s26;
	v17 =	vsel vm1, s30, v17;
	s1 =	sor.u32 $0x30, s25;
	vm13 =	vgt.f32 v22, v20;
	vm4 =	vmand vm2, vm12  }
0x43: {  	v17 =	vshll.u32 v17, $0x7;
	v18 =	vadd.s32 s1, v18;
	vm4 =	vmor vm13, vm4  }
0x44: {  	s28 =	sadd.s32 s22, s26;
	v18 =	vor.u32 v0, v18;
	v20 =	vsel vm4, v22, v20;
	v21 =	vsel vm4, v23, v21  }
0x45: {  	p1 =	sgt.u32 s28, $0x14;
	s1 =	sor.u32 $0x40, s25;
	vm3 =	vgt.f32 v13, v14;
	vm1 =	veq.f32 v25, v20;
	vm4 =	vlt.s32 v18, v21  }
0x46: {  	s31 =	smov.u32 s20;
	p2 =	por !p0, p1;
	v17 =	vadd.s32 s1, v17;
	vm14 =	vgt.f32 v25, v20;
	vm4 =	vmand vm1, vm4  }
0x47: {  	s31 =	smov.u32 @p2 s21;
	v17 =	vor.u32 v0, v17;
	v16 =	vsel vm3, s30, v16;
	vm4 =	vmor vm14, vm4  }
0x48: {  	s3 =	sadd.s32 @!p1 s4, s31;
	v13 =	vsel vm3, v13, v14;
	v20 =	vsel vm4, v25, v20;
	v18 =	vsel vm4, v18, v21  }
0x49: {  	s31 =	sshrl.u32 @!p1 s3, $0x3;
	s1 =	sor.u32 $0x50, s25;
	v16 =	vshll.u32 v16, $0x7;
	vm15 =	veq.f32 v26, v20;
	vm9 =	vlt.s32 v17, v18  }
0x4a: {  	s29 =	sadd.s32 @!p1 $0xFFF82C00, s29;
	s31 =	smul.u32 @!p1 $0xFA800, s31;
	v14 =	vadd.s32 s1, v16;
	vm6 =	vgt.f32 v26, v20;
	vm4 =	vmand vm15, vm9  }
0x4b: {  	s29 =	simm.s32 @!p2 $0x7D400;
	s1 =	sshll.u32 @!p1 s3, $0x7;
	vm2 =	vgt.f32 v12, v11;
	v14 =	vor.u32 v0, v14;
	vm3 =	vmor vm6, vm4  }
0x4c: {  	s3 =	sadd.s32 @!p1 s29, s31;
	s1 =	sand.u32 @!p1 $0x380, s1;
	v15 =	vsel vm2, s30, v15;
	v16 =	vsel vm3, v26, v20;
	v17 =	vsel vm3, v17, v18  }
0x4d: {  	s1 =	sor.u32 @!p1 s1, s3;
	v11 =	vsel vm2, v12, v11;
	vm3 =	veq.f32 v13, v16;
	vm10 =	vlt.s32 v14, v17  }
0x4e: {  	s29 =	simm.s32 @!p1 $0x400;
	s3 =	sor.u32 $0x60, s25;
	v15 =	vshll.u32 v15, $0x7;
	s1 =	sshrl.u32 @!p1 s1, $0x3;
	vm11 =	vgt.f32 v13, v16;
	vm3 =	vmand vm3, vm10  }
0x4f: {  	s31 =	simm.s32 @!p1 $0x0;
	v12 =	vadd.s32 s3, v15;
	s1 =	sadd.s32 @!p1 s0, s1;
	s3 =	simm.s32 @!p1 $0x80;
	vm1 =	vgt.f32 v10, v9;
	vm2 =	vmor vm11, vm3  }
0x50: {  	v12 =	vor.u32 v0, v12;
	[tilespmem:s31], [sflag:$0x1] =	stream.strided.gather @!p1 [hbm4b:s1+s3], $0x5380, s29, s3, $0x38;
	v13 =	vsel vm2, v13, v16;
	v14 =	vsel vm2, v14, v17;
	[tilespmem:$0xFB00] =	vst v63  }
0x51: {  	v15 =	vsel vm1, s30, v19;
	_ =	swait.ge [sflag:s15], $0x5380;
	vm2 =	veq.f32 v11, v13;
	vm3 =	vlt.s32 v12, v14  }
0x52: {  	s3 =	sor.u32 $0x70, s25;
	v15 =	vshll.u32 v15, $0x7;
	[sflag:s15] =	ssyncset.done $0x0;
	vm12 =	vgt.f32 v11, v13;
	vm2 =	vmand vm2, vm3  }
0x53: {  	v9 =	vsel vm1, v10, v9;
	v10 =	vadd.s32 s3, v15;
	[sflag:s15] =	ssyncadd.s32 $0xFFFFAC80;
	s3 =	simm.s32 $0x53C0;
	vm1 =	vmor vm12, vm2  }
0x54: {  	v10 =	vor.u32 v0, v10;
	v15 =	vld [tilespmem:s3+$0xFFFFFFE0];
	v11 =	vsel vm1, v11, v13;
	v12 =	vsel vm1, v12, v14  }
0x55: {  	v16 =	vld [tilespmem:s3+$0x10];
	vm1 =	veq.f32 v9, v11;
	vm2 =	vlt.s32 v10, v12  }
0x56: {  	v13 =	vld [tilespmem:s3+$0xFFFFFFC0];
	vm3 =	vgt.f32 v9, v11;
	vm1 =	vmand vm1, vm2  }
0x57: {  	v14 =	vld [tilespmem:s3+$0xFFFFFFD0];
	vm1 =	vmor vm3, vm1  }
0x58: {  	v9 =	vsel vm1, v9, v11;
	v10 =	vsel vm1, v10, v12;
	v11 =	vld [tilespmem:s3+$0xFFFFFFF0]  }
0x59: {  	v12 =	vld [tilespmem:s3+$0x0];
	vm1 =	veq.f32 v9, v8;
	vm2 =	vlt.s32 v10, v7  }
0x5a: {  	v17 =	vld [tilespmem:s3+$0x20];
	vm3 =	vgt.f32 v9, v8;
	vm1 =	vmand vm1, vm2  }
0x5b: {  	vm1 =	vmor vm3, vm1  }
0x5c: {  	v8 =	vsel vm1, v9, v8;
	v7 =	vsel vm1, v10, v7;
	v9 =	vimm.f32 $-Inf;
	v10 =	vld [tilespmem:s3+$0x30];
	s3 =	simm.s32 $0x5440  }
0x5d: {  	v19 =	vimm.s32 $0x0;
	v31 =	vld [tilespmem:s3+$0xFFFFFFC0];
	vm1 =	vgt.f32 v13, v9;
	vm2 =	vgt.f32 v14, v9  }
0x5e: {  	v20 =	vld [tilespmem:s3+$0xFFFFFFD0];
	vm3 =	vgt.f32 v15, v9;
	vm13 =	vgt.f32 v11, v9;
	vm14 =	vgt.f32 v12, v9  }
0x5f: {  	s30 =	simm.s32 $0x0;
	v32 =	vld [tilespmem:s3+$0xFFFFFFE0];
	vm15 =	vgt.f32 v16, v9;
	vm7 =	vgt.f32 v17, v9;
	v22 =	vsel vm1, v13, v9  }
0x60: {  	v25 =	vld [tilespmem:s3+$0xFFFFFFF0];
	v24 =	vsel vm1, s30, v19;
	v23 =	vsel vm2, v14, v9;
	v26 =	vsel vm3, v15, v9  }
0x61: {  	v29 =	vld [tilespmem:s3+$0x0];
	v27 =	vsel vm13, v11, v9;
	v28 =	vsel vm14, v12, v9;
	v14 =	vsel vm15, v16, v9  }
0x62: {  	v13 =	vld [tilespmem:s3+$0x10];
	v11 =	vsel vm7, v17, v9;
	v30 =	vsel vm2, s30, v19;
	v21 =	vsel vm3, s30, v19  }
0x63: {  	v12 =	vld [tilespmem:s3+$0x20];
	v18 =	vsel vm13, s30, v19;
	v17 =	vsel vm14, s30, v19;
	vm1 =	vgt.f32 v10, v9  }
0x64: {  	s29 =	simm.s32 $0x1;
	s31 =	simm.s32 $0x54C0;
	v16 =	vsel vm15, s30, v19;
	v15 =	vsel vm7, s30, v19;
	v9 =	vsel vm1, v10, v9;
	v10 =	vld [tilespmem:s3+$0x30];
	s3 =	simm.s32 $0x2  }
.LBB2_6:
0x65: {  	v33 =	vld [tilespmem:s31+$0xFFFFFFC0];
	p1 =	sne.s32 s3, $0xA6;
	vm2 =	vgt.f32 v31, v22;
	vm3 =	vgt.f32 v20, v23;
	v19 =	vsel vm1, s30, v19;
	s30 =	smov.u32 s29;
	s29 =	smov.u32 s3  }
0x66: {  	v22 =	vsel vm2, v31, v22;
	v24 =	vsel vm2, s30, v24;
	v23 =	vsel vm3, v20, v23;
	v20 =	vld [tilespmem:s31+$0xFFFFFFD0]  }
0x67: {  	vm4 =	vgt.f32 v25, v27;
	vm2 =	vgt.f32 v32, v26;
	vm5 =	vgt.f32 v29, v28;
	v34 =	vld [tilespmem:s31+$0xFFFFFFE0]  }
.Ltmp1:
0x68: {  	v27 =	vsel vm4, v25, v27;
	v26 =	vsel vm2, v32, v26;
	v28 =	vsel vm5, v29, v28;
	v25 =	vld [tilespmem:s31+$0xFFFFFFF0];
	(pc) =	sbr.rel @p1 .LBB2_6-.Ltmp1, $4  }
0x69: {  	vm6 =	vgt.f32 v13, v14;
	vm7 =	vgt.f32 v12, v11;
	v29 =	vld [tilespmem:s31+$0x0];
	vm1 =	vgt.f32 v10, v9  }
0x6a: {  	v14 =	vsel vm6, v13, v14;
	v11 =	vsel vm7, v12, v11;
	v13 =	vld [tilespmem:s31+$0x10];
	v9 =	vsel vm1, v10, v9;
	v31 =	vmovc v33  }
0x6b: {  	v30 =	vsel vm3, s30, v30;
	v18 =	vsel vm4, s30, v18;
	v21 =	vsel vm2, s30, v21;
	v12 =	vld [tilespmem:s31+$0x20]  }
0x6c: {  	s3 =	sadd.s32 $0x1, s3;
	v17 =	vsel vm5, s30, v17;
	v16 =	vsel vm6, s30, v16;
	v15 =	vsel vm7, s30, v15;
	v10 =	vld [tilespmem:s31+$0x30];
	s31 =	sadd.s32 $0x80, s31;
	v32 =	vmovc v34  }
0x6d: {  	vm2 =	vgt.f32 v31, v22;
	vm3 =	vgt.f32 v20, v23  }
0x6e: {  	v19 =	vsel vm1, s30, v19;
	vm4 =	vgt.f32 v25, v27;
	v22 =	vsel vm2, v31, v22  }
0x6f: {  	v24 =	vsel vm2, s29, v24;
	v20 =	vsel vm3, v20, v23;
	vm2 =	vgt.f32 v32, v26  }
0x70: {  	vm1 =	vgt.f32 v29, v28;
	v25 =	vsel vm4, v25, v27;
	v27 =	vsel vm3, s29, v30  }
0x71: {  	s1 =	sadd.s32 $0x5380, s25;
	v18 =	vsel vm4, s29, v18;
	v23 =	vsel vm2, v32, v26;
	v24 =	vshll.u32 v24, $0x7  }
0x72: {  	s30 =	sadd.s32 $0x5390, s25;
	vm3 =	veq.f32 v22, v22;
	v27 =	vshll.u32 v27, $0x7;
	v24 =	vadd.s32 s1, v24  }
0x73: {  	vm3 =	vmand vm3, vm0;
	v27 =	vadd.s32 s30, v27;
	v24 =	vor.u32 v0, v24  }
0x74: {  	v22 =	vnsel vm3, $0xFF800000, v22;
	v27 =	vor.u32 v0, v27;
	v24 =	vnsel vm3, $0x7FFFFFFF, v24  }
0x75: {  	v21 =	vsel vm2, s29, v21;
	vm2 =	veq.f32 v20, v22;
	vm3 =	vlt.s32 v27, v24  }
0x76: {  	s31 =	sadd.s32 $0x53A0, s25;
	v21 =	vshll.u32 v21, $0x7;
	vm5 =	vgt.f32 v20, v22;
	vm2 =	vmand vm2, vm3  }
0x77: {  	v26 =	vsel vm1, v29, v28;
	v21 =	vadd.s32 s31, v21;
	vm2 =	vmor vm5, vm2  }
0x78: {  	v21 =	vor.u32 v0, v21;
	v20 =	vsel vm2, v20, v22;
	v22 =	vsel vm2, v27, v24  }
0x79: {  	v18 =	vshll.u32 v18, $0x7;
	vm2 =	veq.f32 v23, v20;
	vm12 =	vlt.s32 v21, v22  }
0x7a: {  	s3 =	sadd.s32 $0x53B0, s25;
	v17 =	vsel vm1, s29, v17;
	vm13 =	vgt.f32 v23, v20;
	vm4 =	vmand vm2, vm12  }
0x7b: {  	p1 =	sgt.u32 s28, $0x13;
	v18 =	vadd.s32 s3, v18;
	v17 =	vshll.u32 v17, $0x7;
	vm4 =	vmor vm13, vm4  }
0x7c: {  	s28 =	sadd.s32 $0x53C0, s25;
	s1 =	sor.u32 @!p1 $0x4, s26;
	v18 =	vor.u32 v0, v18;
	v20 =	vsel vm4, v23, v20;
	v21 =	vsel vm4, v21, v22  }
0x7d: {  	p2 =	slt.u32 @!p1 s1, $0x6;
	v17 =	vadd.s32 s28, v17;
	vm1 =	veq.f32 v25, v20;
	vm4 =	vlt.s32 v18, v21  }
0x7e: {  	s3 =	smov.u32 s20;
	p2 =	por !p2, p1;
	vm3 =	vgt.f32 v13, v14;
	vm14 =	vgt.f32 v25, v20;
	vm4 =	vmand vm1, vm4  }
0x7f: {  	s26 =	sadd.s32 @!p1 $0x3FFFFE, s26;
	v17 =	vor.u32 v0, v17;
	s3 =	smov.u32 @p2 s21;
	v16 =	vsel vm3, s29, v16;
	vm4 =	vmor vm14, vm4  }
0x80: {  	s1 =	smov.u32 @p2 s26;
	s3 =	sadd.s32 @!p1 s4, s3;
	v13 =	vsel vm3, v13, v14;
	v20 =	vsel vm4, v25, v20;
	v18 =	vsel vm4, v18, v21  }
0x81: {  	s30 =	sadd.s32 $0x53D0, s25;
	s1 =	smul.u32 @!p1 $0x29C00, s1;
	s28 =	sshrl.u32 @!p1 s3, $0x3;
	v16 =	vshll.u32 v16, $0x7;
	vm15 =	veq.f32 v26, v20;
	vm9 =	vlt.s32 v17, v18  }
0x82: {  	s28 =	smul.u32 @!p1 $0xFA800, s28;
	v14 =	vadd.s32 s30, v16;
	vm6 =	vgt.f32 v26, v20;
	vm4 =	vmand vm15, vm9  }
0x83: {  	s3 =	sshll.u32 @!p1 s3, $0x7;
	vm2 =	vgt.f32 v12, v11;
	v14 =	vor.u32 v0, v14;
	vm3 =	vmor vm6, vm4  }
0x84: {  	s3 =	sand.u32 @!p1 $0x380, s3;
	s1 =	sadd.s32 @!p1 s1, s28;
	v15 =	vsel vm2, s29, v15;
	v16 =	vsel vm3, v26, v20;
	v17 =	vsel vm3, v17, v18  }
0x85: {  	s1 =	sor.u32 @!p1 s3, s1;
	v11 =	vsel vm2, v12, v11;
	vm3 =	veq.f32 v13, v16;
	vm10 =	vlt.s32 v14, v17  }
0x86: {  	s31 =	sadd.s32 $0x53E0, s25;
	s26 =	simm.s32 @!p1 $0x400;
	v15 =	vshll.u32 v15, $0x7;
	s1 =	sshrl.u32 @!p1 s1, $0x3;
	vm11 =	vgt.f32 v13, v16;
	vm3 =	vmand vm3, vm10  }
0x87: {  	s28 =	simm.s32 @!p1 $0x5380;
	s3 =	simm.s32 @!p1 $0x80;
	v12 =	vadd.s32 s31, v15;
	s1 =	sadd.s32 @!p1 s0, s1;
	vm1 =	vgt.f32 v10, v9;
	vm2 =	vmor vm11, vm3  }
0x88: {  	v12 =	vor.u32 v0, v12;
	[tilespmem:s28], [sflag:$0x2] =	stream.strided.gather @!p1 [hbm4b:s1+s3], $0x5380, s26, s3, $0x38;
	v13 =	vsel vm2, v13, v16;
	v14 =	vsel vm2, v14, v17;
	[tilespmem:$0xFB00] =	vst v63  }
0x89: {  	v15 =	vsel vm1, s29, v19;
	_ =	swait.ge [sflag:s16], $0x5380;
	vm2 =	veq.f32 v11, v13;
	vm3 =	vlt.s32 v12, v14  }
0x8a: {  	s26 =	sadd.s32 $0x53F0, s25;
	v15 =	vshll.u32 v15, $0x7;
	[sflag:s16] =	ssyncset.done $0x0;
	vm12 =	vgt.f32 v11, v13;
	vm2 =	vmand vm2, vm3  }
0x8b: {  	s30 =	simm.s32 $0xA740;
	v9 =	vsel vm1, v10, v9;
	v10 =	vadd.s32 s26, v15;
	[sflag:s16] =	ssyncadd.s32 $0xFFFFAC80;
	vm1 =	vmor vm12, vm2  }
0x8c: {  	v10 =	vor.u32 v0, v10;
	v15 =	vld [tilespmem:s30+$0xFFFFFFE0];
	v11 =	vsel vm1, v11, v13;
	v12 =	vsel vm1, v12, v14  }
0x8d: {  	v16 =	vld [tilespmem:s30+$0x10];
	vm1 =	veq.f32 v9, v11;
	vm2 =	vlt.s32 v10, v12  }
0x8e: {  	v13 =	vld [tilespmem:s30+$0xFFFFFFC0];
	vm3 =	vgt.f32 v9, v11;
	vm1 =	vmand vm1, vm2  }
0x8f: {  	v14 =	vld [tilespmem:s30+$0xFFFFFFD0];
	vm1 =	vmor vm3, vm1  }
0x90: {  	v9 =	vsel vm1, v9, v11;
	v10 =	vsel vm1, v10, v12;
	v11 =	vld [tilespmem:s30+$0xFFFFFFF0]  }
0x91: {  	v12 =	vld [tilespmem:s30+$0x0];
	vm1 =	veq.f32 v9, v8;
	vm2 =	vlt.s32 v10, v7  }
0x92: {  	v17 =	vld [tilespmem:s30+$0x20];
	vm3 =	vgt.f32 v9, v8;
	vm1 =	vmand vm1, vm2  }
0x93: {  	vm1 =	vmor vm3, vm1  }
0x94: {  	s31 =	simm.s32 $0xA7C0;
	v19 =	vimm.s32 $0x0;
	v18 =	vld [tilespmem:s30+$0x30];
	v8 =	vsel vm1, v9, v8;
	v9 =	vimm.f32 $-Inf  }
0x95: {  	v31 =	vld [tilespmem:s31+$0xFFFFFFC0];
	v7 =	vsel vm1, v10, v7;
	vm1 =	vgt.f32 v13, v9;
	vm2 =	vgt.f32 v14, v9  }
0x96: {  	v32 =	vld [tilespmem:s31+$0xFFFFFFE0];
	vm3 =	vgt.f32 v15, v9;
	vm13 =	vgt.f32 v11, v9;
	vm14 =	vgt.f32 v12, v9  }
0x97: {  	s28 =	simm.s32 $0x0;
	v25 =	vld [tilespmem:s31+$0xFFFFFFF0];
	vm15 =	vgt.f32 v16, v9;
	vm7 =	vgt.f32 v17, v9;
	v22 =	vsel vm1, v13, v9  }
0x98: {  	v20 =	vld [tilespmem:s31+$0xFFFFFFD0];
	v24 =	vsel vm1, s28, v19;
	v23 =	vsel vm2, v14, v9;
	v26 =	vsel vm3, v15, v9  }
0x99: {  	v29 =	vld [tilespmem:s31+$0x0];
	v27 =	vsel vm13, v11, v9;
	v28 =	vsel vm14, v12, v9;
	vm1 =	vgt.f32 v18, v9  }
0x9a: {  	v13 =	vld [tilespmem:s31+$0x10];
	v14 =	vsel vm15, v16, v9;
	v10 =	vsel vm7, v17, v9;
	v30 =	vsel vm2, s28, v19  }
0x9b: {  	v12 =	vld [tilespmem:s31+$0x20];
	v21 =	vsel vm3, s28, v19;
	v17 =	vsel vm14, s28, v19;
	v16 =	vsel vm15, s28, v19  }
0x9c: {  	s3 =	simm.s32 $0x2;
	s29 =	simm.s32 $0xA840;
	s26 =	simm.s32 $0x1;
	v11 =	vld [tilespmem:s31+$0x30];
	v15 =	vsel vm7, s28, v19;
	v9 =	vsel vm1, v18, v9;
	v18 =	vsel vm13, s28, v19  }
.LBB2_8:
0x9d: {  	v33 =	vld [tilespmem:s29+$0xFFFFFFC0];
	p1 =	sne.s32 s3, $0xA6;
	vm2 =	vgt.f32 v31, v22;
	vm3 =	vgt.f32 v20, v23;
	v19 =	vsel vm1, s28, v19;
	s28 =	smov.u32 s26;
	s26 =	smov.u32 s3  }
0x9e: {  	v22 =	vsel vm2, v31, v22;
	v24 =	vsel vm2, s28, v24;
	v23 =	vsel vm3, v20, v23;
	v20 =	vld [tilespmem:s29+$0xFFFFFFD0]  }
0x9f: {  	vm4 =	vgt.f32 v25, v27;
	vm2 =	vgt.f32 v32, v26;
	vm5 =	vgt.f32 v29, v28;
	v34 =	vld [tilespmem:s29+$0xFFFFFFE0]  }
.Ltmp2:
0xa0: {  	v27 =	vsel vm4, v25, v27;
	v26 =	vsel vm2, v32, v26;
	v28 =	vsel vm5, v29, v28;
	v25 =	vld [tilespmem:s29+$0xFFFFFFF0];
	(pc) =	sbr.rel @p1 .LBB2_8-.Ltmp2, $4  }
0xa1: {  	vm6 =	vgt.f32 v13, v14;
	vm7 =	vgt.f32 v12, v10;
	v29 =	vld [tilespmem:s29+$0x0];
	vm1 =	vgt.f32 v11, v9  }
0xa2: {  	v14 =	vsel vm6, v13, v14;
	v10 =	vsel vm7, v12, v10;
	v13 =	vld [tilespmem:s29+$0x10];
	v9 =	vsel vm1, v11, v9;
	v31 =	vmovc v33  }
0xa3: {  	v30 =	vsel vm3, s28, v30;
	v18 =	vsel vm4, s28, v18;
	v21 =	vsel vm2, s28, v21;
	v12 =	vld [tilespmem:s29+$0x20]  }
0xa4: {  	s3 =	sadd.s32 $0x1, s3;
	v17 =	vsel vm5, s28, v17;
	v16 =	vsel vm6, s28, v16;
	v15 =	vsel vm7, s28, v15;
	v11 =	vld [tilespmem:s29+$0x30];
	s29 =	sadd.s32 $0x80, s29;
	v32 =	vmovc v34  }
0xa5: {  	vm2 =	vgt.f32 v31, v22;
	vm3 =	vgt.f32 v20, v23  }
0xa6: {  	v19 =	vsel vm1, s28, v19;
	vm4 =	vgt.f32 v25, v27;
	v22 =	vsel vm2, v31, v22  }
0xa7: {  	v24 =	vsel vm2, s26, v24;
	v20 =	vsel vm3, v20, v23;
	vm2 =	vgt.f32 v32, v26  }
0xa8: {  	vm1 =	vgt.f32 v29, v28;
	v25 =	vsel vm4, v25, v27;
	v58 =	vsel vm3, s26, v30  }
0xa9: {  	s1 =	sadd.s32 $0xA700, s25;
	v18 =	vsel vm4, s26, v18;
	v56 =	vsel vm2, v32, v26;
	v24 =	vshll.u32 v24, $0x7  }
0xaa: {  	s30 =	sadd.s32 $0xA710, s25;
	vm3 =	veq.f32 v22, v22;
	v27 =	vshll.u32 v58, $0x7;
	v24 =	vadd.s32 s1, v24  }
0xab: {  	vm3 =	vmand vm3, vm0;
	v27 =	vadd.s32 s30, v27;
	v24 =	vor.u32 v0, v24  }
0xac: {  	v22 =	vnsel vm3, $0xFF800000, v22;
	v27 =	vor.u32 v0, v27;
	v24 =	vnsel vm3, $0x7FFFFFFF, v24  }
0xad: {  	v21 =	vsel vm2, s26, v21;
	vm2 =	veq.f32 v20, v22;
	vm3 =	vlt.s32 v27, v24  }
0xae: {  	s31 =	sadd.s32 $0xA720, s25;
	v21 =	vshll.u32 v21, $0x7;
	vm5 =	vgt.f32 v20, v22;
	vm3 =	vmand vm2, vm3  }
0xaf: {  	v57 =	vsel vm1, v29, v28;
	v21 =	vadd.s32 s31, v21;
	vm3 =	vmor vm5, vm3  }
0xb0: {  	v21 =	vor.u32 v0, v21;
	v20 =	vsel vm3, v20, v22;
	v59 =	vsel vm3, v27, v24  }
0xb1: {  	v18 =	vshll.u32 v18, $0x7;
	vm3 =	veq.f32 v56, v20;
	vm8 =	vlt.s32 v21, v59  }
0xb2: {  	s3 =	sadd.s32 $0xA730, s25;
	v17 =	vsel vm1, s26, v17;
	vm9 =	vgt.f32 v56, v20;
	vm4 =	vmand vm3, vm8  }
0xb3: {  	v18 =	vadd.s32 s3, v18;
	v17 =	vshll.u32 v17, $0x7;
	vm4 =	vmor vm9, vm4  }
0xb4: {  	s28 =	sadd.s32 $0xA740, s25;
	v18 =	vor.u32 v0, v18;
	v20 =	vsel vm4, v56, v20;
	v21 =	vsel vm4, v21, v59  }
0xb5: {  	v17 =	vadd.s32 s28, v17;
	vm1 =	veq.f32 v25, v20;
	vm4 =	vlt.s32 v18, v21  }
0xb6: {  	vm2 =	vgt.f32 v13, v14;
	vm10 =	vgt.f32 v25, v20;
	vm4 =	vmand vm1, vm4  }
0xb7: {  	v17 =	vor.u32 v0, v17;
	v16 =	vsel vm2, s26, v16;
	vm4 =	vmor vm10, vm4  }
0xb8: {  	v13 =	vsel vm2, v13, v14;
	v20 =	vsel vm4, v25, v20;
	v18 =	vsel vm4, v18, v21  }
0xb9: {  	s29 =	sadd.s32 $0xA750, s25;
	v16 =	vshll.u32 v16, $0x7;
	vm11 =	veq.f32 v57, v20;
	vm12 =	vlt.s32 v17, v18  }
0xba: {  	v60 =	vadd.s32 s29, v16;
	vm6 =	vgt.f32 v57, v20;
	vm4 =	vmand vm11, vm12  }
0xbb: {  	vm3 =	vgt.f32 v12, v10;
	v14 =	vor.u32 v0, v60;
	vm2 =	vmor vm6, vm4  }
0xbc: {  	v15 =	vsel vm3, s26, v15;
	v61 =	vsel vm2, v57, v20;
	v17 =	vsel vm2, v17, v18  }
0xbd: {  	v10 =	vsel vm3, v12, v10;
	vm2 =	veq.f32 v13, v61;
	vm13 =	vlt.s32 v14, v17  }
0xbe: {  	s30 =	sadd.s32 $0xA760, s25;
	v15 =	vshll.u32 v15, $0x7;
	vm14 =	vgt.f32 v13, v61;
	vm2 =	vmand vm2, vm13  }
0xbf: {  	v62 =	vadd.s32 s30, v15;
	vm1 =	vgt.f32 v11, v9;
	vm2 =	vmor vm14, vm2  }
0xc0: {  	v12 =	vor.u32 v0, v62;
	v13 =	vsel vm2, v13, v61;
	v14 =	vsel vm2, v14, v17  }
0xc1: {  	v63 =	vsel vm1, s26, v19;
	vm2 =	veq.f32 v10, v13;
	vm3 =	vlt.s32 v12, v14  }
0xc2: {  	s31 =	sadd.s32 $0xA770, s25;
	v15 =	vshll.u32 v63, $0x7;
	vm15 =	vgt.f32 v10, v13;
	vm2 =	vmand vm2, vm3  }
0xc3: {  	v9 =	vsel vm1, v11, v9;
	v11 =	vadd.s32 s31, v15;
	vm1 =	vmor vm15, vm2  }
0xc4: {  	v11 =	vor.u32 v0, v11;
	v10 =	vsel vm1, v10, v13;
	v12 =	vsel vm1, v12, v14  }
0xc5: {  	vm1 =	veq.f32 v9, v10;
	vm2 =	vlt.s32 v11, v12  }
0xc6: {  	vm3 =	vgt.f32 v9, v10;
	vm1 =	vmand vm1, vm2  }
0xc7: {  	vm1 =	vmor vm3, vm1  }
.Ltmp3:
0xc8: {  	v9 =	vsel vm1, v9, v10;
	v10 =	vsel vm1, v11, v12;
	(pc) =	sbr.rel @p0 .LBB2_3-.Ltmp3, $4  }
0xc9: {  	vm1 =	veq.f32 v9, v8;
	vm2 =	vlt.s32 v10, v7  }
0xca: {  	vm3 =	vgt.f32 v9, v8;
	vm1 =	vmand vm1, vm2  }
0xcb: {  	vm1 =	vmor vm3, vm1  }
0xcc: {  	p1 =	por $0x0, $0x0;
	s26 =	simm.s32 $0x1;
	v8 =	vsel vm1, v9, v8;
	v7 =	vsel vm1, v10, v7  }
0xcd: {  	v6 =	vperm.xlane v8, v1;
	v9 =	vperm.xlane v7, v1;
	_ =	sdelay $0x1  }
0xce: {  	vm1 =	veq.f32 v6, v8;
	vm2 =	vlt.s32 v9, v7  }
0xcf: {  	vm3 =	vgt.f32 v6, v8;
	vm1 =	vmand vm1, vm2  }
0xd0: {  	vm1 =	vmor vm3, vm1  }
0xd1: {  	v6 =	vsel vm1, v6, v8;
	v7 =	vsel vm1, v9, v7  }
0xd2: {  	v8 =	vperm.xlane v6, v2;
	v9 =	vperm.xlane v7, v2;
	_ =	sdelay $0x1  }
0xd3: {  	vm1 =	veq.f32 v8, v6;
	vm2 =	vlt.s32 v9, v7  }
0xd4: {  	vm3 =	vgt.f32 v8, v6;
	vm1 =	vmand vm1, vm2  }
0xd5: {  	vm1 =	vmor vm3, vm1  }
0xd6: {  	v6 =	vsel vm1, v8, v6;
	v7 =	vsel vm1, v9, v7  }
0xd7: {  	v8 =	vperm.xlane v6, v3;
	v9 =	vperm.xlane v7, v3;
	_ =	sdelay $0x1  }
0xd8: {  	vm1 =	veq.f32 v8, v6;
	vm2 =	vlt.s32 v9, v7  }
0xd9: {  	vm3 =	vgt.f32 v8, v6;
	vm1 =	vmand vm1, vm2  }
0xda: {  	vm1 =	vmor vm3, vm1  }
0xdb: {  	v6 =	vsel vm1, v8, v6;
	v7 =	vsel vm1, v9, v7  }
0xdc: {  	v8 =	vperm.xlane v6, v4;
	v9 =	vperm.xlane v7, v4  }
0xdd: {  	p0 =	sne.s32 s21, $0x4  }
.Ltmp4:
0xde: {  	vm1 =	veq.f32 v8, v6;
	vm2 =	vlt.s32 v9, v7;
	(pc) =	sbr.rel @p0 .LBB2_2-.Ltmp4, $4  }
0xdf: {  	vm3 =	vgt.f32 v8, v6;
	vm1 =	vmand vm1, vm2  }
0xe0: {  	v6 =	vmov s20;
	vm1 =	vmor vm3, vm1  }
0xe1: {  	v7 =	vsel vm1, v9, v7;
	vm1 =	veq.s32 v6, v0  }
0xe2: {  	s20 =	smov.u32 s21;
	v5 =	vsel vm1, v7, v5  }
0xe3: {  	s19 =	sadd.s32 $0x1, s19  }
0xe4: {  	p0 =	sne.s32 s19, s9  }
.Ltmp5:
0xe5: {  	[tilespmem:$0xFA80] =	vst v5;
	(pc) =	sbr.rel @p0 .LBB2_1-.Ltmp5, $4  }
0xe6: {  	[hbm4b:s8+s2] =	stream.linear.scatter [tilespmem:s17], [sflag:$0x4], $0x8, $0x38;
	[tilespmem:$0xFB00] =	vst v63  }
0xe7: {  	_ =	swait.ge [sflag:s18], $0x8  }
0xe8: {  	[sflag:s18] =	ssyncset.done $0x0  }
0xe9: {  	[sflag:s18] =	ssyncadd.s32 $0xFFFFFFF8  }
0xea: {  	_ =	sfence.sel $0x180000  }
0xeb: {  	[bflag:$0x0] =	sbarrier.arrive $0xFFFF  }
0xec: {  	_ =	strace $0x90000047  }
0xed: {  	s0 =	stileid.u32;
	[bflag:$0x2] =	sbarrier.arrive $0xFFFF  }
0xee: {  	p0 =	sne.s32 s0, $0x0;
	s0 =	rddreg [dreg:$0x2]  }
0xef: {  	s0 =	sadd.s32 @!p0 $0x100000, s0  }
0xf0: {  	[sflag:s0] =	ssyncadd.tile.s32 @!p0 $0x1;
	_ =	shalt  }
.Lfunc_end2:
_tile_overlayer_lowered:
.L_overlay_start_2:
0xf1: {  	(tag) =	ssettag $0x2  }
0xf2: {  	s0 =	rddreg [dreg:$0x0];
	s2 =	stileid.u32  }
0xf3: {  	s1 =	rddreg [dreg:$0x1];
	p0 =	sne.s32 s2, $0x0  }
0xf4: {  	s3 =	rddreg [dreg:$0x2];
	[bflag:$0x3] =	sbarrier.arrive $0xFFFF;
	s2 =	simm.s32 @!p0 $0x1C04  }
0xf5: {  	[timem:s3], [sflag:s2] =	dma.local @!p0 [hbm:s0], s1  }
0xf6: {  	s0 =	simm.s32 @!p0 $0x4  }
0xf7: {  	_ =	swait.ge @!p0 [sflag:s0], s1  }
0xf8: {  	s1 =	ssub.s32 @!p0 $0x0, s1;
	[sflag:s0] =	ssyncset.done @!p0 $0x0  }
0xf9: {  	[sflag:s0] =	ssyncadd.s32 @!p0 s1  }
0xfa: {  	[bflag:$0x3] =	sbarrier.arrive $0xFFFF  }
0xfb: {  	_ =	shalt  }

</sc_bundles>
